<compile_context>
chip_gen: v7x
topology: tpu7x:2x2x1
jax: 0.10.2.dev20260603
libtpu: 0.0.44.dev20260713+nightly
codegen_flags: <defaults>
</compile_context>

<pallas_src>
import jax
import jax.numpy as jnp
from jax import lax
from jax.experimental import pallas as pl
from jax.experimental.pallas import tpu as pltpu
from jax.experimental.pallas import tpu_sc as plsc

N = 10000
E = 320000
D = 128
NB = 65
NCL = 50
NPC = N // NCL

NC = 2
NS = 16
NW = NC * NS
K = 128
NP = 10240
RPT = NP // NS
EP = NW * NP
EPW = NP
NCHUNK = EPW // K
HC = NCHUNK // 2



def _prep_body(di_ref, emb_ref, wl_ref, wr_ref, y_ref, z_ref):
    cols = lax.broadcasted_iota(jnp.int32, (1, NB), 1)
    p = jnp.where(di_ref[...] == cols, 1.0, 0.0).astype(jnp.float32)
    el = jnp.dot(emb_ref[...], wl_ref[...], preferred_element_type=jnp.float32)
    er = jnp.dot(emb_ref[...], wr_ref[...], preferred_element_type=jnp.float32)
    y_ref[...] = jnp.dot(p, el, preferred_element_type=jnp.float32)
    z_ref[...] = jnp.dot(p, er, preferred_element_type=jnp.float32)


def _mid_body(sp_ref, dp_ref, z0_ref, bl0_ref, wl1_ref, wr1_ref,
              y1_ref, z1_ref, dinv_ref):
    s1 = sp_ref[:N, :] + sp_ref[NP:NP + N, :]
    deg = dp_ref[:N, :1] + dp_ref[NP:NP + N, :1]
    dinv = 1.0 / jnp.maximum(deg, 1.0)
    h1 = jnp.maximum(s1 * dinv + bl0_ref[...] + z0_ref[...], 0.0)
    y1_ref[...] = jnp.dot(h1, wl1_ref[...], preferred_element_type=jnp.float32)
    z1_ref[...] = jnp.dot(h1, wr1_ref[...], preferred_element_type=jnp.float32)
    dinv_ref[...] = dinv


def _fin_body(sp_ref, dinv_ref, z1_ref, bl1_ref, out_ref):
    s2 = sp_ref[:N, :] + sp_ref[NP:NP + N, :]
    h2 = jnp.maximum(s2 * dinv_ref[...] + bl1_ref[...] + z1_ref[...], 0.0)
    ji = lax.broadcasted_iota(jnp.int32, (NCL, N), 1)
    ci = lax.broadcasted_iota(jnp.int32, (NCL, N), 0)
    m = jnp.where(ji % NCL == ci, 1.0 / NPC, 0.0)
    out_ref[...] = jnp.dot(m, h2, preferred_element_type=jnp.float32)


_prep = pl.pallas_call(
    _prep_body,
    out_shape=[jax.ShapeDtypeStruct((N, D), jnp.float32),
               jax.ShapeDtypeStruct((N, D), jnp.float32)],
)

_mid = pl.pallas_call(
    _mid_body,
    out_shape=[jax.ShapeDtypeStruct((N, D), jnp.float32),
               jax.ShapeDtypeStruct((N, D), jnp.float32),
               jax.ShapeDtypeStruct((N, 1), jnp.float32)],
)

_fin = pl.pallas_call(
    _fin_body,
    out_shape=[jax.ShapeDtypeStruct((NCL, D), jnp.float32)],
)



_SC_MESH = plsc.VectorSubcoreMesh(core_axis_name="c", subcore_axis_name="s")


def _seg_body(y_hbm, src_hbm, dst_hbm, zer_hbm, out_hbm,
              src_v, dst_v, rows_a, rows_b, acc_sh, sem_a, sem_b):
    c = lax.axis_index("c")
    s = lax.axis_index("s")
    w = s * NC + c
    row0 = s * RPT

    pltpu.sync_copy(zer_hbm, acc_sh.at[pl.ds(row0, RPT)])
    plsc.subcore_barrier()

    def half(h, carry):
        pltpu.sync_copy(src_hbm.at[pl.ds(w * NCHUNK + h * HC, HC)], src_v)
        pltpu.sync_copy(dst_hbm.at[pl.ds(w * NCHUNK + h * HC, HC)], dst_v)
        pltpu.async_copy(y_hbm.at[src_v.at[0]], rows_a, sem_a)

        def chunk2(j, carry2):
            i0 = 2 * j
            pltpu.async_copy(y_hbm.at[src_v.at[i0 + 1]], rows_b, sem_b)
            pltpu.make_async_copy(y_hbm.at[src_v.at[i0]], rows_a, sem_a).wait()
            pltpu.sync_copy(rows_a, acc_sh.at[dst_v.at[i0]], add=True)

            @pl.when(j < HC // 2 - 1)
            def _():
                pltpu.async_copy(y_hbm.at[src_v.at[i0 + 2]], rows_a, sem_a)

            pltpu.make_async_copy(y_hbm.at[src_v.at[i0 + 1]], rows_b, sem_b).wait()
            pltpu.sync_copy(rows_b, acc_sh.at[dst_v.at[i0 + 1]], add=True)
            return carry2

        lax.fori_loop(0, HC // 2, chunk2, 0)
        return carry

    lax.fori_loop(0, 2, half, 0)
    plsc.subcore_barrier()

    pltpu.sync_copy(acc_sh.at[pl.ds(row0, RPT)],
                    out_hbm.at[pl.ds(c * NP + row0, RPT)])


def _degree_body(dst_hbm, ones_hbm, zer_hbm, out_hbm,
                 dst_v, ones_v, acc_sh):
    c = lax.axis_index("c")
    s = lax.axis_index("s")
    w = s * NC + c
    row0 = s * RPT

    pltpu.sync_copy(zer_hbm, acc_sh.at[pl.ds(row0, RPT)])
    pltpu.sync_copy(ones_hbm, ones_v)
    pltpu.sync_copy(dst_hbm.at[pl.ds(w * NCHUNK, NCHUNK)], dst_v)
    plsc.subcore_barrier()

    def chunk(i, carry):
        pltpu.sync_copy(ones_v, acc_sh.at[dst_v.at[i]], add=True)
        return carry

    lax.fori_loop(0, NCHUNK, chunk, 0)
    plsc.subcore_barrier()

    pltpu.sync_copy(acc_sh.at[pl.ds(row0, RPT)],
                    out_hbm.at[pl.ds(c * NP + row0, RPT)])


_seg = pl.kernel(
    _seg_body,
    out_type=[jax.ShapeDtypeStruct((NC * NP, D), jnp.float32)],
    mesh=_SC_MESH,
    scratch_types=[
        pltpu.VMEM((HC, K), jnp.int32),
        pltpu.VMEM((HC, K), jnp.int32),
        pltpu.VMEM((K, D), jnp.float32),
        pltpu.VMEM((K, D), jnp.float32),
        pltpu.VMEM_SHARED((NP, D), jnp.float32),
        pltpu.SemaphoreType.DMA,
        pltpu.SemaphoreType.DMA,
    ],
)

_degree = pl.kernel(
    _degree_body,
    out_type=[jax.ShapeDtypeStruct((NC * NP, D), jnp.float32)],
    mesh=_SC_MESH,
    scratch_types=[
        pltpu.VMEM((NCHUNK, K), jnp.int32),
        pltpu.VMEM((K, D), jnp.float32),
        pltpu.VMEM_SHARED((NP, D), jnp.float32),
    ],
)


@jax.jit
def _run(deg_idx, edge_index, emb, Wl0, bl0, Wr0, Wl1, bl1, Wr1):
    src = jnp.concatenate(
        [edge_index[0].astype(jnp.int32), jnp.zeros((EP - E,), jnp.int32)]
    ).reshape(NW * NCHUNK, K)
    pad_dst = N + jnp.arange(EP - E, dtype=jnp.int32) % (NP - N)
    dst = jnp.concatenate(
        [edge_index[1].astype(jnp.int32), pad_dst]
    ).reshape(NW * NCHUNK, K)
    di = deg_idx.reshape(N, 1).astype(jnp.int32)

    zeros_a = jnp.zeros((RPT, D), jnp.float32)
    ones_k = jnp.ones((K, D), jnp.float32)

    (dp,) = _degree(dst, ones_k, zeros_a)

    y0, z0 = _prep(di, emb, Wl0, Wr0)

    (s1p,) = _seg(y0, src, dst, zeros_a)

    y1, z1, dinv = _mid(s1p, dp, z0, bl0.reshape(1, D), Wl1, Wr1)

    (s2p,) = _seg(y1, src, dst, zeros_a)

    (pooled,) = _fin(s2p, dinv, z1, bl1.reshape(1, D))
    return pooled[None]


def kernel(deg_idx, edge_index, batch, emb, Wl0, bl0, Wr0, Wl1, bl1, Wr1):
    del batch
    return _run(deg_idx, edge_index, emb, Wl0, bl0, Wr0, Wl1, bl1, Wr1)

# --- scband reference (transcript-rebuilt; emitter-appended) ---
"""Pipeline reference for scband-graph-sageencoder-13898514170445 (READ-ONLY COPY).

The authoritative reference and input builder live on the scoring server;
editing this copy changes nothing except your own understanding.
"""

import jax, jax.numpy as jnp
import numpy as np

N_NODES = 10000
N_EDGES = 320000
EMB_DIM = 128
HID = 128
MAX_DEG = 64
NUM_CLUSTERS = 50


def sage_conv(x, edge_index, W_l, b_l, W_r):
    # PyG-style SAGEConv with mean aggregation:
    # out = lin_l(mean_{j in N(i)} x_j) + lin_r(x_i)
    src = edge_index[0]
    dst = edge_index[1]
    n = x.shape[0]
    msg = jnp.take(x, src, axis=0)                       # gather
    agg = jax.ops.segment_sum(msg, dst, num_segments=n)  # scatter-add
    deg = jax.ops.segment_sum(jnp.ones((msg.shape[0],), dtype=x.dtype), dst, num_segments=n)
    agg = agg / jnp.clip(deg, 1.0)[:, None]
    return agg @ W_l + b_l + x @ W_r


def setup_inputs(seed: int = 0) -> dict:
    key = jax.random.key(seed)
    ks = jax.random.split(key, 10)
    deg_idx = jax.random.randint(ks[0], (N_NODES,), 0, MAX_DEG + 1)
    edge_index = jax.random.randint(ks[1], (2, N_EDGES), 0, N_NODES)
    batch = jnp.zeros((N_NODES,), dtype=jnp.int32)
    emb = jax.random.normal(ks[2], (MAX_DEG + 1, EMB_DIM), dtype=jnp.float32)
    s0 = 1.0 / np.sqrt(EMB_DIM)
    s1 = 1.0 / np.sqrt(HID)
    Wl0 = jax.random.uniform(ks[3], (EMB_DIM, HID), jnp.float32, -s0, s0)
    bl0 = jnp.zeros((HID,), dtype=jnp.float32)
    Wr0 = jax.random.uniform(ks[4], (EMB_DIM, HID), jnp.float32, -s0, s0)
    Wl1 = jax.random.uniform(ks[5], (HID, HID), jnp.float32, -s1, s1)
    bl1 = jnp.zeros((HID,), dtype=jnp.float32)
    Wr1 = jax.random.uniform(ks[6], (HID, HID), jnp.float32, -s1, s1)
    return {"deg_idx": deg_idx, "edge_index": edge_index, "batch": batch,
            "emb": emb, "Wl0": Wl0, "bl0": bl0, "Wr0": Wr0,
            "Wl1": Wl1, "bl1": bl1, "Wr1": Wr1}


def reference(deg_idx, edge_index, batch, emb, Wl0, bl0, Wr0, Wl1, bl1, Wr1):
    # node embedding lookup by degree bucket
    x = jnp.take(emb, deg_idx, axis=0)
    x = jax.nn.relu(sage_conv(x, edge_index, Wl0, bl0, Wr0))
    x = jax.nn.relu(sage_conv(x, edge_index, Wl1, bl1, Wr1))
    # batch is all zeros -> single graph; node/edge masks are all-true.
    n = x.shape[0]
    # METIS partition replaced with deterministic hash partition (node_id mod C);
    # preserves the per-cluster masked-mean pooling pattern.
    parts = jnp.arange(n, dtype=jnp.int32) % NUM_CLUSTERS
    pooled_sum = jax.ops.segment_sum(x, parts, num_segments=NUM_CLUSTERS)
    counts = jax.ops.segment_sum(jnp.ones((n,), dtype=x.dtype), parts, num_segments=NUM_CLUSTERS)
    pooled = pooled_sum / jnp.clip(counts, 1.0)[:, None]
    return pooled[None]  # [num_graphs=1, num_clusters, hidden_dim]

if __name__ == "__main__":
    import jax
    _d = setup_inputs()
    print(jax.jit(kernel)(*tuple(_d.values())))

</pallas_src>

<mosaic_0001>
#map = affine_map<(d0, d1) -> (0, 0)>
module attributes {stable_mosaic.version = 14 : i64} {
  func.func @_seg_body(%arg0: i32, %arg1: i32, %arg2: memref<10000x128xf32, #tpu.memory_space<hbm>>, %arg3: memref<2560x128xi32, #tpu.memory_space<hbm>>, %arg4: memref<2560x128xi32, #tpu.memory_space<hbm>>, %arg5: memref<640x128xf32, #tpu.memory_space<hbm>>, %arg6: memref<20480x128xf32, #tpu.memory_space<hbm>>, %arg7: memref<40x128xi32, #tpu.memory_space<vmem>>, %arg8: memref<40x128xi32, #tpu.memory_space<vmem>>, %arg9: memref<128x128xf32, #tpu.memory_space<vmem>>, %arg10: memref<128x128xf32, #tpu.memory_space<vmem>>, %arg11: memref<10240x128xf32, #tpu.memory_space<vmem_shared>>, %arg12: memref<!tpu.dma_semaphore, #tpu.memory_space<semaphore_mem>>, %arg13: memref<!tpu.dma_semaphore, #tpu.memory_space<semaphore_mem>>) attributes {dimension_semantics = [#tpu.dimension_semantics<core_parallel>, #tpu.dimension_semantics<subcore_parallel>], iteration_bounds = array<i64: 2, 16>, scalar_prefetch = 0 : i64, scratch_operands = 7 : i64, tpu.core_type = #tpu.core_type<sc_vector_subcore>, window_params = [{transform_indices = #map}, {transform_indices = #map}, {transform_indices = #map}, {transform_indices = #map}, {transform_indices = #map}]} {
    %mul3A = arith.constant 2 : i32
    %mul3A_0 = arith.muli %arg1, %mul3A : i32
    %add3A = arith.addi %mul3A_0, %arg0 : i32
    %mul3A_1 = arith.constant 640 : i32
    %mul3A_2 = arith.muli %arg1, %mul3A_1 : i32
    "tpu.region"() ({
      %run_scoped3A = tpu.sem_alloc : memref<!tpu.dma_semaphore, #tpu.memory_space<semaphore_mem>>
      %dma_start3A = arith.constant 0 : i32
      %dma_start3A_12 = tpu.memref_slice %arg11[%mul3A_2, %dma_start3A] : memref<10240x128xf32, #tpu.memory_space<vmem_shared>> -> memref<640x128xf32, #tpu.memory_space<vmem_shared>>
      tpu.enqueue_dma source(%arg5 : memref<640x128xf32, #tpu.memory_space<hbm>>) target(%dma_start3A_12 : memref<640x128xf32, #tpu.memory_space<vmem_shared>>) target_semaphore(%run_scoped3A : memref<!tpu.dma_semaphore, #tpu.memory_space<semaphore_mem>>)
      %dma_wait3A = arith.constant 0 : i32
      %dma_wait3A_13 = tpu.memref_slice %arg11[%mul3A_2, %dma_wait3A] : memref<10240x128xf32, #tpu.memory_space<vmem_shared>> -> memref<640x128xf32, #tpu.memory_space<vmem_shared>>
      tpu.wait_dma2 semaphore(%run_scoped3A : memref<!tpu.dma_semaphore, #tpu.memory_space<semaphore_mem>>) src(%arg5 : memref<640x128xf32, #tpu.memory_space<hbm>>) dst(%dma_wait3A_13 : memref<640x128xf32, #tpu.memory_space<vmem_shared>>)
      tpu.yield
    }) : () -> ()
    %barrier3A = arith.constant 0 : index
    tpu.barrier barrier_id(%barrier3A)
    %scan3A = arith.constant 0 : i32
    %scan3A_3 = arith.constant 0 : i32
    %scan3A_4 = arith.constant 2 : i32
    %scan3A_5 = arith.addi %scan3A_3, %scan3A_4 : i32
    %scan3A_6 = arith.constant 1 : i32
    scf.for %scan3A_12 = %scan3A_3 to %scan3A_5 step %scan3A_6  : i32 {
      %mul3A_13 = arith.constant 80 : i32
      %mul3A_14 = arith.muli %add3A, %mul3A_13 : i32
      %mul3A_15 = arith.constant 40 : i32
      %mul3A_16 = arith.muli %scan3A_12, %mul3A_15 : i32
      %add3A_17 = arith.addi %mul3A_14, %mul3A_16 : i32
      "tpu.region"() ({
        %run_scoped3A = tpu.sem_alloc : memref<!tpu.dma_semaphore, #tpu.memory_space<semaphore_mem>>
        %dma_start3A_35 = arith.constant 0 : i32
        %dma_start3A_36 = tpu.memref_slice %arg3[%add3A_17, %dma_start3A_35] : memref<2560x128xi32, #tpu.memory_space<hbm>> -> memref<40x128xi32, #tpu.memory_space<hbm>>
        %dma_start3A_37 = arith.constant 0 : i32
        %dma_start3A_38 = tpu.memref_slice %arg3[%add3A_17, %dma_start3A_37] : memref<2560x128xi32, #tpu.memory_space<hbm>> -> memref<40x128xi32, #tpu.memory_space<hbm>>
        tpu.enqueue_dma source(%dma_start3A_38 : memref<40x128xi32, #tpu.memory_space<hbm>>) target(%arg7 : memref<40x128xi32, #tpu.memory_space<vmem>>) target_semaphore(%run_scoped3A : memref<!tpu.dma_semaphore, #tpu.memory_space<semaphore_mem>>)
        %dma_wait3A = arith.constant 0 : i32
        %dma_wait3A_39 = tpu.memref_slice %arg3[%add3A_17, %dma_wait3A] : memref<2560x128xi32, #tpu.memory_space<hbm>> -> memref<40x128xi32, #tpu.memory_space<hbm>>
        %dma_wait3A_40 = arith.constant 0 : i32
        %dma_wait3A_41 = tpu.memref_slice %arg3[%add3A_17, %dma_wait3A_40] : memref<2560x128xi32, #tpu.memory_space<hbm>> -> memref<40x128xi32, #tpu.memory_space<hbm>>
        tpu.wait_dma2 semaphore(%run_scoped3A : memref<!tpu.dma_semaphore, #tpu.memory_space<semaphore_mem>>) src(%dma_wait3A_41 : memref<40x128xi32, #tpu.memory_space<hbm>>) dst(%arg7 : memref<40x128xi32, #tpu.memory_space<vmem>>)
        tpu.yield
      }) : () -> ()
      %mul3A_18 = arith.constant 80 : i32
      %mul3A_19 = arith.muli %add3A, %mul3A_18 : i32
      %mul3A_20 = arith.constant 40 : i32
      %mul3A_21 = arith.muli %scan3A_12, %mul3A_20 : i32
      %add3A_22 = arith.addi %mul3A_19, %mul3A_21 : i32
      "tpu.region"() ({
        %run_scoped3A = tpu.sem_alloc : memref<!tpu.dma_semaphore, #tpu.memory_space<semaphore_mem>>
        %dma_start3A_35 = arith.constant 0 : i32
        %dma_start3A_36 = tpu.memref_slice %arg4[%add3A_22, %dma_start3A_35] : memref<2560x128xi32, #tpu.memory_space<hbm>> -> memref<40x128xi32, #tpu.memory_space<hbm>>
        %dma_start3A_37 = arith.constant 0 : i32
        %dma_start3A_38 = tpu.memref_slice %arg4[%add3A_22, %dma_start3A_37] : memref<2560x128xi32, #tpu.memory_space<hbm>> -> memref<40x128xi32, #tpu.memory_space<hbm>>
        tpu.enqueue_dma source(%dma_start3A_38 : memref<40x128xi32, #tpu.memory_space<hbm>>) target(%arg8 : memref<40x128xi32, #tpu.memory_space<vmem>>) target_semaphore(%run_scoped3A : memref<!tpu.dma_semaphore, #tpu.memory_space<semaphore_mem>>)
        %dma_wait3A = arith.constant 0 : i32
        %dma_wait3A_39 = tpu.memref_slice %arg4[%add3A_22, %dma_wait3A] : memref<2560x128xi32, #tpu.memory_space<hbm>> -> memref<40x128xi32, #tpu.memory_space<hbm>>
        %dma_wait3A_40 = arith.constant 0 : i32
        %dma_wait3A_41 = tpu.memref_slice %arg4[%add3A_22, %dma_wait3A_40] : memref<2560x128xi32, #tpu.memory_space<hbm>> -> memref<40x128xi32, #tpu.memory_space<hbm>>
        tpu.wait_dma2 semaphore(%run_scoped3A : memref<!tpu.dma_semaphore, #tpu.memory_space<semaphore_mem>>) src(%dma_wait3A_41 : memref<40x128xi32, #tpu.memory_space<hbm>>) dst(%arg8 : memref<40x128xi32, #tpu.memory_space<vmem>>)
        tpu.yield
      }) : () -> ()
      %dma_start3A = arith.constant 0 : i32
      %dma_start3A_23 = arith.constant 0 : i32
      %dma_start3A_24 = tpu.memref_slice %arg7[%dma_start3A, %dma_start3A_23] : memref<40x128xi32, #tpu.memory_space<vmem>> -> memref<1x128xi32, #tpu.memory_space<vmem>>
      %dma_start3A_25 = tpu.memref_squeeze %dma_start3A_24 : memref<1x128xi32, #tpu.memory_space<vmem>> -> memref<128xi32, #tpu.memory_space<vmem>>
      %dma_start3A_26 = arith.constant 0 : i32
      %dma_start3A_27 = arith.constant 0 : i32
      %dma_start3A_28 = tpu.memref_slice %arg2[%dma_start3A_26, %dma_start3A_27] : memref<10000x128xf32, #tpu.memory_space<hbm>> -> memref<10000x128xf32, #tpu.memory_space<hbm>>
      tpu.enqueue_indirect_dma source(%dma_start3A_28 : memref<10000x128xf32, #tpu.memory_space<hbm>>) target(%arg9 : memref<128x128xf32, #tpu.memory_space<vmem>>) offsets(%dma_start3A_25 : memref<128xi32, #tpu.memory_space<vmem>>) semaphore(%arg12 : memref<!tpu.dma_semaphore, #tpu.memory_space<semaphore_mem>>)
      %scan3A_29 = arith.constant 0 : i32
      %scan3A_30 = arith.constant 0 : i32
      %scan3A_31 = arith.constant 20 : i32
      %scan3A_32 = arith.addi %scan3A_30, %scan3A_31 : i32
      %scan3A_33 = arith.constant 1 : i32
      scf.for %scan3A_35 = %scan3A_30 to %scan3A_32 step %scan3A_33  : i32 {
        %mul3A_36 = arith.constant 2 : i32
        %mul3A_37 = arith.muli %mul3A_36, %scan3A_35 : i32
        %add3A_38 = arith.constant 1 : i32
        %add3A_39 = arith.addi %mul3A_37, %add3A_38 : i32
        %dma_start3A_40 = arith.constant 0 : i32
        %dma_start3A_41 = tpu.memref_slice %arg7[%add3A_39, %dma_start3A_40] : memref<40x128xi32, #tpu.memory_space<vmem>> -> memref<1x128xi32, #tpu.memory_space<vmem>>
        %dma_start3A_42 = tpu.memref_squeeze %dma_start3A_41 : memref<1x128xi32, #tpu.memory_space<vmem>> -> memref<128xi32, #tpu.memory_space<vmem>>
        %dma_start3A_43 = arith.constant 0 : i32
        %dma_start3A_44 = arith.constant 0 : i32
        %dma_start3A_45 = tpu.memref_slice %arg2[%dma_start3A_43, %dma_start3A_44] : memref<10000x128xf32, #tpu.memory_space<hbm>> -> memref<10000x128xf32, #tpu.memory_space<hbm>>
        tpu.enqueue_indirect_dma source(%dma_start3A_45 : memref<10000x128xf32, #tpu.memory_space<hbm>>) target(%arg10 : memref<128x128xf32, #tpu.memory_space<vmem>>) offsets(%dma_start3A_42 : memref<128xi32, #tpu.memory_space<vmem>>) semaphore(%arg13 : memref<!tpu.dma_semaphore, #tpu.memory_space<semaphore_mem>>)
        %dma_wait3A = arith.constant 0 : i32
        %dma_wait3A_46 = tpu.memref_slice %arg7[%mul3A_37, %dma_wait3A] : memref<40x128xi32, #tpu.memory_space<vmem>> -> memref<1x128xi32, #tpu.memory_space<vmem>>
        %dma_wait3A_47 = tpu.memref_squeeze %dma_wait3A_46 : memref<1x128xi32, #tpu.memory_space<vmem>> -> memref<128xi32, #tpu.memory_space<vmem>>
        %dma_wait3A_48 = arith.constant 0 : i32
        %dma_wait3A_49 = arith.constant 0 : i32
        %dma_wait3A_50 = tpu.memref_slice %arg2[%dma_wait3A_48, %dma_wait3A_49] : memref<10000x128xf32, #tpu.memory_space<hbm>> -> memref<10000x128xf32, #tpu.memory_space<hbm>>
        tpu.wait_indirect_dma semaphore(%arg12 : memref<!tpu.dma_semaphore, #tpu.memory_space<semaphore_mem>>) src(%dma_wait3A_50 : memref<10000x128xf32, #tpu.memory_space<hbm>>) dst(%arg9 : memref<128x128xf32, #tpu.memory_space<vmem>>)
        "tpu.region"() ({
          %run_scoped3A = tpu.sem_alloc : memref<!tpu.dma_semaphore, #tpu.memory_space<semaphore_mem>>
          %dma_start3A_63 = arith.constant 0 : i32
          %dma_start3A_64 = tpu.memref_slice %arg8[%mul3A_37, %dma_start3A_63] : memref<40x128xi32, #tpu.memory_space<vmem>> -> memref<1x128xi32, #tpu.memory_space<vmem>>
          %dma_start3A_65 = tpu.memref_squeeze %dma_start3A_64 : memref<1x128xi32, #tpu.memory_space<vmem>> -> memref<128xi32, #tpu.memory_space<vmem>>
          %dma_start3A_66 = arith.constant 0 : i32
          %dma_start3A_67 = arith.constant 0 : i32
          %dma_start3A_68 = tpu.memref_slice %arg11[%dma_start3A_66, %dma_start3A_67] : memref<10240x128xf32, #tpu.memory_space<vmem_shared>> -> memref<10240x128xf32, #tpu.memory_space<vmem_shared>>
          tpu.enqueue_indirect_dma source(%arg9 : memref<128x128xf32, #tpu.memory_space<vmem>>) target(%dma_start3A_68 : memref<10240x128xf32, #tpu.memory_space<vmem_shared>>) offsets(%dma_start3A_65 : memref<128xi32, #tpu.memory_space<vmem>>) semaphore(%run_scoped3A : memref<!tpu.dma_semaphore, #tpu.memory_space<semaphore_mem>>) {add = true}
          %dma_wait3A_69 = arith.constant 0 : i32
          %dma_wait3A_70 = tpu.memref_slice %arg8[%mul3A_37, %dma_wait3A_69] : memref<40x128xi32, #tpu.memory_space<vmem>> -> memref<1x128xi32, #tpu.memory_space<vmem>>
          %dma_wait3A_71 = tpu.memref_squeeze %dma_wait3A_70 : memref<1x128xi32, #tpu.memory_space<vmem>> -> memref<128xi32, #tpu.memory_space<vmem>>
          %dma_wait3A_72 = arith.constant 0 : i32
          %dma_wait3A_73 = arith.constant 0 : i32
          %dma_wait3A_74 = tpu.memref_slice %arg11[%dma_wait3A_72, %dma_wait3A_73] : memref<10240x128xf32, #tpu.memory_space<vmem_shared>> -> memref<10240x128xf32, #tpu.memory_space<vmem_shared>>
          tpu.wait_indirect_dma semaphore(%run_scoped3A : memref<!tpu.dma_semaphore, #tpu.memory_space<semaphore_mem>>) src(%arg9 : memref<128x128xf32, #tpu.memory_space<vmem>>) dst(%dma_wait3A_74 : memref<10240x128xf32, #tpu.memory_space<vmem_shared>>)
          tpu.yield
        }) : () -> ()
        %lt3A = arith.constant 19 : i32
        %lt3A_51 = arith.cmpi slt, %scan3A_35, %lt3A : i32
        %convert_element_type3A = arith.extui %lt3A_51 : i1 to i32
        %cond3A = arith.constant 0 : i32
        %cond3A_52 = arith.cmpi ne, %convert_element_type3A, %cond3A : i32
        scf.if %cond3A_52 {
          %add3A_63 = arith.constant 2 : i32
          %add3A_64 = arith.addi %mul3A_37, %add3A_63 : i32
          %dma_start3A_65 = arith.constant 0 : i32
          %dma_start3A_66 = tpu.memref_slice %arg7[%add3A_64, %dma_start3A_65] : memref<40x128xi32, #tpu.memory_space<vmem>> -> memref<1x128xi32, #tpu.memory_space<vmem>>
          %dma_start3A_67 = tpu.memref_squeeze %dma_start3A_66 : memref<1x128xi32, #tpu.memory_space<vmem>> -> memref<128xi32, #tpu.memory_space<vmem>>
          %dma_start3A_68 = arith.constant 0 : i32
          %dma_start3A_69 = arith.constant 0 : i32
          %dma_start3A_70 = tpu.memref_slice %arg2[%dma_start3A_68, %dma_start3A_69] : memref<10000x128xf32, #tpu.memory_space<hbm>> -> memref<10000x128xf32, #tpu.memory_space<hbm>>
          tpu.enqueue_indirect_dma source(%dma_start3A_70 : memref<10000x128xf32, #tpu.memory_space<hbm>>) target(%arg9 : memref<128x128xf32, #tpu.memory_space<vmem>>) offsets(%dma_start3A_67 : memref<128xi32, #tpu.memory_space<vmem>>) semaphore(%arg12 : memref<!tpu.dma_semaphore, #tpu.memory_space<semaphore_mem>>)
        } else {
        }
        %add3A_53 = arith.constant 1 : i32
        %add3A_54 = arith.addi %mul3A_37, %add3A_53 : i32
        %dma_wait3A_55 = arith.constant 0 : i32
        %dma_wait3A_56 = tpu.memref_slice %arg7[%add3A_54, %dma_wait3A_55] : memref<40x128xi32, #tpu.memory_space<vmem>> -> memref<1x128xi32, #tpu.memory_space<vmem>>
        %dma_wait3A_57 = tpu.memref_squeeze %dma_wait3A_56 : memref<1x128xi32, #tpu.memory_space<vmem>> -> memref<128xi32, #tpu.memory_space<vmem>>
        %dma_wait3A_58 = arith.constant 0 : i32
        %dma_wait3A_59 = arith.constant 0 : i32
        %dma_wait3A_60 = tpu.memref_slice %arg2[%dma_wait3A_58, %dma_wait3A_59] : memref<10000x128xf32, #tpu.memory_space<hbm>> -> memref<10000x128xf32, #tpu.memory_space<hbm>>
        tpu.wait_indirect_dma semaphore(%arg13 : memref<!tpu.dma_semaphore, #tpu.memory_space<semaphore_mem>>) src(%dma_wait3A_60 : memref<10000x128xf32, #tpu.memory_space<hbm>>) dst(%arg10 : memref<128x128xf32, #tpu.memory_space<vmem>>)
        %add3A_61 = arith.constant 1 : i32
        %add3A_62 = arith.addi %mul3A_37, %add3A_61 : i32
        "tpu.region"() ({
          %run_scoped3A = tpu.sem_alloc : memref<!tpu.dma_semaphore, #tpu.memory_space<semaphore_mem>>
          %dma_start3A_63 = arith.constant 0 : i32
          %dma_start3A_64 = tpu.memref_slice %arg8[%add3A_62, %dma_start3A_63] : memref<40x128xi32, #tpu.memory_space<vmem>> -> memref<1x128xi32, #tpu.memory_space<vmem>>
          %dma_start3A_65 = tpu.memref_squeeze %dma_start3A_64 : memref<1x128xi32, #tpu.memory_space<vmem>> -> memref<128xi32, #tpu.memory_space<vmem>>
          %dma_start3A_66 = arith.constant 0 : i32
          %dma_start3A_67 = arith.constant 0 : i32
          %dma_start3A_68 = tpu.memref_slice %arg11[%dma_start3A_66, %dma_start3A_67] : memref<10240x128xf32, #tpu.memory_space<vmem_shared>> -> memref<10240x128xf32, #tpu.memory_space<vmem_shared>>
          tpu.enqueue_indirect_dma source(%arg10 : memref<128x128xf32, #tpu.memory_space<vmem>>) target(%dma_start3A_68 : memref<10240x128xf32, #tpu.memory_space<vmem_shared>>) offsets(%dma_start3A_65 : memref<128xi32, #tpu.memory_space<vmem>>) semaphore(%run_scoped3A : memref<!tpu.dma_semaphore, #tpu.memory_space<semaphore_mem>>) {add = true}
          %dma_wait3A_69 = arith.constant 0 : i32
          %dma_wait3A_70 = tpu.memref_slice %arg8[%add3A_62, %dma_wait3A_69] : memref<40x128xi32, #tpu.memory_space<vmem>> -> memref<1x128xi32, #tpu.memory_space<vmem>>
          %dma_wait3A_71 = tpu.memref_squeeze %dma_wait3A_70 : memref<1x128xi32, #tpu.memory_space<vmem>> -> memref<128xi32, #tpu.memory_space<vmem>>
          %dma_wait3A_72 = arith.constant 0 : i32
          %dma_wait3A_73 = arith.constant 0 : i32
          %dma_wait3A_74 = tpu.memref_slice %arg11[%dma_wait3A_72, %dma_wait3A_73] : memref<10240x128xf32, #tpu.memory_space<vmem_shared>> -> memref<10240x128xf32, #tpu.memory_space<vmem_shared>>
          tpu.wait_indirect_dma semaphore(%run_scoped3A : memref<!tpu.dma_semaphore, #tpu.memory_space<semaphore_mem>>) src(%arg10 : memref<128x128xf32, #tpu.memory_space<vmem>>) dst(%dma_wait3A_74 : memref<10240x128xf32, #tpu.memory_space<vmem_shared>>)
          tpu.yield
        }) : () -> ()
      }
      %scan3A_34 = arith.constant 20 : i32
    }
    %scan3A_7 = arith.constant 2 : i32
    %barrier3A_8 = arith.constant 0 : index
    tpu.barrier barrier_id(%barrier3A_8)
    %mul3A_9 = arith.constant 10240 : i32
    %mul3A_10 = arith.muli %arg0, %mul3A_9 : i32
    %add3A_11 = arith.addi %mul3A_10, %mul3A_2 : i32
    "tpu.region"() ({
      %run_scoped3A = tpu.sem_alloc : memref<!tpu.dma_semaphore, #tpu.memory_space<semaphore_mem>>
      %dma_start3A = arith.constant 0 : i32
      %dma_start3A_12 = tpu.memref_slice %arg6[%add3A_11, %dma_start3A] : memref<20480x128xf32, #tpu.memory_space<hbm>> -> memref<640x128xf32, #tpu.memory_space<hbm>>
      %dma_start3A_13 = arith.constant 0 : i32
      %dma_start3A_14 = tpu.memref_slice %arg11[%mul3A_2, %dma_start3A_13] : memref<10240x128xf32, #tpu.memory_space<vmem_shared>> -> memref<640x128xf32, #tpu.memory_space<vmem_shared>>
      tpu.enqueue_dma source(%dma_start3A_14 : memref<640x128xf32, #tpu.memory_space<vmem_shared>>) target(%dma_start3A_12 : memref<640x128xf32, #tpu.memory_space<hbm>>) target_semaphore(%run_scoped3A : memref<!tpu.dma_semaphore, #tpu.memory_space<semaphore_mem>>)
      %dma_wait3A = arith.constant 0 : i32
      %dma_wait3A_15 = tpu.memref_slice %arg6[%add3A_11, %dma_wait3A] : memref<20480x128xf32, #tpu.memory_space<hbm>> -> memref<640x128xf32, #tpu.memory_space<hbm>>
      %dma_wait3A_16 = arith.constant 0 : i32
      %dma_wait3A_17 = tpu.memref_slice %arg11[%mul3A_2, %dma_wait3A_16] : memref<10240x128xf32, #tpu.memory_space<vmem_shared>> -> memref<640x128xf32, #tpu.memory_space<vmem_shared>>
      tpu.wait_dma2 semaphore(%run_scoped3A : memref<!tpu.dma_semaphore, #tpu.memory_space<semaphore_mem>>) src(%dma_wait3A_17 : memref<640x128xf32, #tpu.memory_space<vmem_shared>>) dst(%dma_wait3A_15 : memref<640x128xf32, #tpu.memory_space<hbm>>)
      tpu.yield
    }) : () -> ()
    return
  }
}

#map = affine_map<(d0, d1) -> (0, 0)>
module attributes {stable_mosaic.version = 14 : i64} {
  func.func @_degree_body(%arg0: i32, %arg1: i32, %arg2: memref<2560x128xi32, #tpu.memory_space<hbm>>, %arg3: memref<128x128xf32, #tpu.memory_space<hbm>>, %arg4: memref<640x128xf32, #tpu.memory_space<hbm>>, %arg5: memref<20480x128xf32, #tpu.memory_space<hbm>>, %arg6: memref<80x128xi32, #tpu.memory_space<vmem>>, %arg7: memref<128x128xf32, #tpu.memory_space<vmem>>, %arg8: memref<10240x128xf32, #tpu.memory_space<vmem_shared>>) attributes {dimension_semantics = [#tpu.dimension_semantics<core_parallel>, #tpu.dimension_semantics<subcore_parallel>], iteration_bounds = array<i64: 2, 16>, scalar_prefetch = 0 : i64, scratch_operands = 3 : i64, tpu.core_type = #tpu.core_type<sc_vector_subcore>, window_params = [{transform_indices = #map}, {transform_indices = #map}, {transform_indices = #map}, {transform_indices = #map}]} {
    %mul3A = arith.constant 2 : i32
    %mul3A_0 = arith.muli %arg1, %mul3A : i32
    %add3A = arith.addi %mul3A_0, %arg0 : i32
    %mul3A_1 = arith.constant 640 : i32
    %mul3A_2 = arith.muli %arg1, %mul3A_1 : i32
    "tpu.region"() ({
      %run_scoped3A = tpu.sem_alloc : memref<!tpu.dma_semaphore, #tpu.memory_space<semaphore_mem>>
      %dma_start3A = arith.constant 0 : i32
      %dma_start3A_14 = tpu.memref_slice %arg8[%mul3A_2, %dma_start3A] : memref<10240x128xf32, #tpu.memory_space<vmem_shared>> -> memref<640x128xf32, #tpu.memory_space<vmem_shared>>
      tpu.enqueue_dma source(%arg4 : memref<640x128xf32, #tpu.memory_space<hbm>>) target(%dma_start3A_14 : memref<640x128xf32, #tpu.memory_space<vmem_shared>>) target_semaphore(%run_scoped3A : memref<!tpu.dma_semaphore, #tpu.memory_space<semaphore_mem>>)
      %dma_wait3A = arith.constant 0 : i32
      %dma_wait3A_15 = tpu.memref_slice %arg8[%mul3A_2, %dma_wait3A] : memref<10240x128xf32, #tpu.memory_space<vmem_shared>> -> memref<640x128xf32, #tpu.memory_space<vmem_shared>>
      tpu.wait_dma2 semaphore(%run_scoped3A : memref<!tpu.dma_semaphore, #tpu.memory_space<semaphore_mem>>) src(%arg4 : memref<640x128xf32, #tpu.memory_space<hbm>>) dst(%dma_wait3A_15 : memref<640x128xf32, #tpu.memory_space<vmem_shared>>)
      tpu.yield
    }) : () -> ()
    "tpu.region"() ({
      %run_scoped3A = tpu.sem_alloc : memref<!tpu.dma_semaphore, #tpu.memory_space<semaphore_mem>>
      tpu.enqueue_dma source(%arg3 : memref<128x128xf32, #tpu.memory_space<hbm>>) target(%arg7 : memref<128x128xf32, #tpu.memory_space<vmem>>) target_semaphore(%run_scoped3A : memref<!tpu.dma_semaphore, #tpu.memory_space<semaphore_mem>>)
      tpu.wait_dma2 semaphore(%run_scoped3A : memref<!tpu.dma_semaphore, #tpu.memory_space<semaphore_mem>>) src(%arg3 : memref<128x128xf32, #tpu.memory_space<hbm>>) dst(%arg7 : memref<128x128xf32, #tpu.memory_space<vmem>>)
      tpu.yield
    }) : () -> ()
    %mul3A_3 = arith.constant 80 : i32
    %mul3A_4 = arith.muli %add3A, %mul3A_3 : i32
    "tpu.region"() ({
      %run_scoped3A = tpu.sem_alloc : memref<!tpu.dma_semaphore, #tpu.memory_space<semaphore_mem>>
      %dma_start3A = arith.constant 0 : i32
      %dma_start3A_14 = tpu.memref_slice %arg2[%mul3A_4, %dma_start3A] : memref<2560x128xi32, #tpu.memory_space<hbm>> -> memref<80x128xi32, #tpu.memory_space<hbm>>
      %dma_start3A_15 = arith.constant 0 : i32
      %dma_start3A_16 = tpu.memref_slice %arg2[%mul3A_4, %dma_start3A_15] : memref<2560x128xi32, #tpu.memory_space<hbm>> -> memref<80x128xi32, #tpu.memory_space<hbm>>
      tpu.enqueue_dma source(%dma_start3A_16 : memref<80x128xi32, #tpu.memory_space<hbm>>) target(%arg6 : memref<80x128xi32, #tpu.memory_space<vmem>>) target_semaphore(%run_scoped3A : memref<!tpu.dma_semaphore, #tpu.memory_space<semaphore_mem>>)
      %dma_wait3A = arith.constant 0 : i32
      %dma_wait3A_17 = tpu.memref_slice %arg2[%mul3A_4, %dma_wait3A] : memref<2560x128xi32, #tpu.memory_space<hbm>> -> memref<80x128xi32, #tpu.memory_space<hbm>>
      %dma_wait3A_18 = arith.constant 0 : i32
      %dma_wait3A_19 = tpu.memref_slice %arg2[%mul3A_4, %dma_wait3A_18] : memref<2560x128xi32, #tpu.memory_space<hbm>> -> memref<80x128xi32, #tpu.memory_space<hbm>>
      tpu.wait_dma2 semaphore(%run_scoped3A : memref<!tpu.dma_semaphore, #tpu.memory_space<semaphore_mem>>) src(%dma_wait3A_19 : memref<80x128xi32, #tpu.memory_space<hbm>>) dst(%arg6 : memref<80x128xi32, #tpu.memory_space<vmem>>)
      tpu.yield
    }) : () -> ()
    %barrier3A = arith.constant 0 : index
    tpu.barrier barrier_id(%barrier3A)
    %scan3A = arith.constant 0 : i32
    %scan3A_5 = arith.constant 0 : i32
    %scan3A_6 = arith.constant 80 : i32
    %scan3A_7 = arith.addi %scan3A_5, %scan3A_6 : i32
    %scan3A_8 = arith.constant 1 : i32
    scf.for %scan3A_14 = %scan3A_5 to %scan3A_7 step %scan3A_8  : i32 {
      "tpu.region"() ({
        %run_scoped3A = tpu.sem_alloc : memref<!tpu.dma_semaphore, #tpu.memory_space<semaphore_mem>>
        %dma_start3A = arith.constant 0 : i32
        %dma_start3A_15 = tpu.memref_slice %arg6[%scan3A_14, %dma_start3A] : memref<80x128xi32, #tpu.memory_space<vmem>> -> memref<1x128xi32, #tpu.memory_space<vmem>>
        %dma_start3A_16 = tpu.memref_squeeze %dma_start3A_15 : memref<1x128xi32, #tpu.memory_space<vmem>> -> memref<128xi32, #tpu.memory_space<vmem>>
        %dma_start3A_17 = arith.constant 0 : i32
        %dma_start3A_18 = arith.constant 0 : i32
        %dma_start3A_19 = tpu.memref_slice %arg8[%dma_start3A_17, %dma_start3A_18] : memref<10240x128xf32, #tpu.memory_space<vmem_shared>> -> memref<10240x128xf32, #tpu.memory_space<vmem_shared>>
        tpu.enqueue_indirect_dma source(%arg7 : memref<128x128xf32, #tpu.memory_space<vmem>>) target(%dma_start3A_19 : memref<10240x128xf32, #tpu.memory_space<vmem_shared>>) offsets(%dma_start3A_16 : memref<128xi32, #tpu.memory_space<vmem>>) semaphore(%run_scoped3A : memref<!tpu.dma_semaphore, #tpu.memory_space<semaphore_mem>>) {add = true}
        %dma_wait3A = arith.constant 0 : i32
        %dma_wait3A_20 = tpu.memref_slice %arg6[%scan3A_14, %dma_wait3A] : memref<80x128xi32, #tpu.memory_space<vmem>> -> memref<1x128xi32, #tpu.memory_space<vmem>>
        %dma_wait3A_21 = tpu.memref_squeeze %dma_wait3A_20 : memref<1x128xi32, #tpu.memory_space<vmem>> -> memref<128xi32, #tpu.memory_space<vmem>>
        %dma_wait3A_22 = arith.constant 0 : i32
        %dma_wait3A_23 = arith.constant 0 : i32
        %dma_wait3A_24 = tpu.memref_slice %arg8[%dma_wait3A_22, %dma_wait3A_23] : memref<10240x128xf32, #tpu.memory_space<vmem_shared>> -> memref<10240x128xf32, #tpu.memory_space<vmem_shared>>
        tpu.wait_indirect_dma semaphore(%run_scoped3A : memref<!tpu.dma_semaphore, #tpu.memory_space<semaphore_mem>>) src(%arg7 : memref<128x128xf32, #tpu.memory_space<vmem>>) dst(%dma_wait3A_24 : memref<10240x128xf32, #tpu.memory_space<vmem_shared>>)
        tpu.yield
      }) : () -> ()
    }
    %scan3A_9 = arith.constant 80 : i32
    %barrier3A_10 = arith.constant 0 : index
    tpu.barrier barrier_id(%barrier3A_10)
    %mul3A_11 = arith.constant 10240 : i32
    %mul3A_12 = arith.muli %arg0, %mul3A_11 : i32
    %add3A_13 = arith.addi %mul3A_12, %mul3A_2 : i32
    "tpu.region"() ({
      %run_scoped3A = tpu.sem_alloc : memref<!tpu.dma_semaphore, #tpu.memory_space<semaphore_mem>>
      %dma_start3A = arith.constant 0 : i32
      %dma_start3A_14 = tpu.memref_slice %arg5[%add3A_13, %dma_start3A] : memref<20480x128xf32, #tpu.memory_space<hbm>> -> memref<640x128xf32, #tpu.memory_space<hbm>>
      %dma_start3A_15 = arith.constant 0 : i32
      %dma_start3A_16 = tpu.memref_slice %arg8[%mul3A_2, %dma_start3A_15] : memref<10240x128xf32, #tpu.memory_space<vmem_shared>> -> memref<640x128xf32, #tpu.memory_space<vmem_shared>>
      tpu.enqueue_dma source(%dma_start3A_16 : memref<640x128xf32, #tpu.memory_space<vmem_shared>>) target(%dma_start3A_14 : memref<640x128xf32, #tpu.memory_space<hbm>>) target_semaphore(%run_scoped3A : memref<!tpu.dma_semaphore, #tpu.memory_space<semaphore_mem>>)
      %dma_wait3A = arith.constant 0 : i32
      %dma_wait3A_17 = tpu.memref_slice %arg5[%add3A_13, %dma_wait3A] : memref<20480x128xf32, #tpu.memory_space<hbm>> -> memref<640x128xf32, #tpu.memory_space<hbm>>
      %dma_wait3A_18 = arith.constant 0 : i32
      %dma_wait3A_19 = tpu.memref_slice %arg8[%mul3A_2, %dma_wait3A_18] : memref<10240x128xf32, #tpu.memory_space<vmem_shared>> -> memref<640x128xf32, #tpu.memory_space<vmem_shared>>
      tpu.wait_dma2 semaphore(%run_scoped3A : memref<!tpu.dma_semaphore, #tpu.memory_space<semaphore_mem>>) src(%dma_wait3A_19 : memref<640x128xf32, #tpu.memory_space<vmem_shared>>) dst(%dma_wait3A_17 : memref<640x128xf32, #tpu.memory_space<hbm>>)
      tpu.yield
    }) : () -> ()
    return
  }
}

#map = affine_map<(d0, d1) -> (0, 0)>
module attributes {stable_mosaic.version = 14 : i64} {
  func.func @_seg_body(%arg0: i32, %arg1: i32, %arg2: memref<10000x128xf32, #tpu.memory_space<hbm>>, %arg3: memref<2560x128xi32, #tpu.memory_space<hbm>>, %arg4: memref<2560x128xi32, #tpu.memory_space<hbm>>, %arg5: memref<640x128xf32, #tpu.memory_space<hbm>>, %arg6: memref<20480x128xf32, #tpu.memory_space<hbm>>, %arg7: memref<40x128xi32, #tpu.memory_space<vmem>>, %arg8: memref<40x128xi32, #tpu.memory_space<vmem>>, %arg9: memref<128x128xf32, #tpu.memory_space<vmem>>, %arg10: memref<128x128xf32, #tpu.memory_space<vmem>>, %arg11: memref<10240x128xf32, #tpu.memory_space<vmem_shared>>, %arg12: memref<!tpu.dma_semaphore, #tpu.memory_space<semaphore_mem>>, %arg13: memref<!tpu.dma_semaphore, #tpu.memory_space<semaphore_mem>>) attributes {dimension_semantics = [#tpu.dimension_semantics<core_parallel>, #tpu.dimension_semantics<subcore_parallel>], iteration_bounds = array<i64: 2, 16>, scalar_prefetch = 0 : i64, scratch_operands = 7 : i64, tpu.core_type = #tpu.core_type<sc_vector_subcore>, window_params = [{transform_indices = #map}, {transform_indices = #map}, {transform_indices = #map}, {transform_indices = #map}, {transform_indices = #map}]} {
    %mul3A = arith.constant 2 : i32
    %mul3A_0 = arith.muli %arg1, %mul3A : i32
    %add3A = arith.addi %mul3A_0, %arg0 : i32
    %mul3A_1 = arith.constant 640 : i32
    %mul3A_2 = arith.muli %arg1, %mul3A_1 : i32
    "tpu.region"() ({
      %run_scoped3A = tpu.sem_alloc : memref<!tpu.dma_semaphore, #tpu.memory_space<semaphore_mem>>
      %dma_start3A = arith.constant 0 : i32
      %dma_start3A_12 = tpu.memref_slice %arg11[%mul3A_2, %dma_start3A] : memref<10240x128xf32, #tpu.memory_space<vmem_shared>> -> memref<640x128xf32, #tpu.memory_space<vmem_shared>>
      tpu.enqueue_dma source(%arg5 : memref<640x128xf32, #tpu.memory_space<hbm>>) target(%dma_start3A_12 : memref<640x128xf32, #tpu.memory_space<vmem_shared>>) target_semaphore(%run_scoped3A : memref<!tpu.dma_semaphore, #tpu.memory_space<semaphore_mem>>)
      %dma_wait3A = arith.constant 0 : i32
      %dma_wait3A_13 = tpu.memref_slice %arg11[%mul3A_2, %dma_wait3A] : memref<10240x128xf32, #tpu.memory_space<vmem_shared>> -> memref<640x128xf32, #tpu.memory_space<vmem_shared>>
      tpu.wait_dma2 semaphore(%run_scoped3A : memref<!tpu.dma_semaphore, #tpu.memory_space<semaphore_mem>>) src(%arg5 : memref<640x128xf32, #tpu.memory_space<hbm>>) dst(%dma_wait3A_13 : memref<640x128xf32, #tpu.memory_space<vmem_shared>>)
      tpu.yield
    }) : () -> ()
    %barrier3A = arith.constant 0 : index
    tpu.barrier barrier_id(%barrier3A)
    %scan3A = arith.constant 0 : i32
    %scan3A_3 = arith.constant 0 : i32
    %scan3A_4 = arith.constant 2 : i32
    %scan3A_5 = arith.addi %scan3A_3, %scan3A_4 : i32
    %scan3A_6 = arith.constant 1 : i32
    scf.for %scan3A_12 = %scan3A_3 to %scan3A_5 step %scan3A_6  : i32 {
      %mul3A_13 = arith.constant 80 : i32
      %mul3A_14 = arith.muli %add3A, %mul3A_13 : i32
      %mul3A_15 = arith.constant 40 : i32
      %mul3A_16 = arith.muli %scan3A_12, %mul3A_15 : i32
      %add3A_17 = arith.addi %mul3A_14, %mul3A_16 : i32
      "tpu.region"() ({
        %run_scoped3A = tpu.sem_alloc : memref<!tpu.dma_semaphore, #tpu.memory_space<semaphore_mem>>
        %dma_start3A_35 = arith.constant 0 : i32
        %dma_start3A_36 = tpu.memref_slice %arg3[%add3A_17, %dma_start3A_35] : memref<2560x128xi32, #tpu.memory_space<hbm>> -> memref<40x128xi32, #tpu.memory_space<hbm>>
        %dma_start3A_37 = arith.constant 0 : i32
        %dma_start3A_38 = tpu.memref_slice %arg3[%add3A_17, %dma_start3A_37] : memref<2560x128xi32, #tpu.memory_space<hbm>> -> memref<40x128xi32, #tpu.memory_space<hbm>>
        tpu.enqueue_dma source(%dma_start3A_38 : memref<40x128xi32, #tpu.memory_space<hbm>>) target(%arg7 : memref<40x128xi32, #tpu.memory_space<vmem>>) target_semaphore(%run_scoped3A : memref<!tpu.dma_semaphore, #tpu.memory_space<semaphore_mem>>)
        %dma_wait3A = arith.constant 0 : i32
        %dma_wait3A_39 = tpu.memref_slice %arg3[%add3A_17, %dma_wait3A] : memref<2560x128xi32, #tpu.memory_space<hbm>> -> memref<40x128xi32, #tpu.memory_space<hbm>>
        %dma_wait3A_40 = arith.constant 0 : i32
        %dma_wait3A_41 = tpu.memref_slice %arg3[%add3A_17, %dma_wait3A_40] : memref<2560x128xi32, #tpu.memory_space<hbm>> -> memref<40x128xi32, #tpu.memory_space<hbm>>
        tpu.wait_dma2 semaphore(%run_scoped3A : memref<!tpu.dma_semaphore, #tpu.memory_space<semaphore_mem>>) src(%dma_wait3A_41 : memref<40x128xi32, #tpu.memory_space<hbm>>) dst(%arg7 : memref<40x128xi32, #tpu.memory_space<vmem>>)
        tpu.yield
      }) : () -> ()
      %mul3A_18 = arith.constant 80 : i32
      %mul3A_19 = arith.muli %add3A, %mul3A_18 : i32
      %mul3A_20 = arith.constant 40 : i32
      %mul3A_21 = arith.muli %scan3A_12, %mul3A_20 : i32
      %add3A_22 = arith.addi %mul3A_19, %mul3A_21 : i32
      "tpu.region"() ({
        %run_scoped3A = tpu.sem_alloc : memref<!tpu.dma_semaphore, #tpu.memory_space<semaphore_mem>>
        %dma_start3A_35 = arith.constant 0 : i32
        %dma_start3A_36 = tpu.memref_slice %arg4[%add3A_22, %dma_start3A_35] : memref<2560x128xi32, #tpu.memory_space<hbm>> -> memref<40x128xi32, #tpu.memory_space<hbm>>
        %dma_start3A_37 = arith.constant 0 : i32
        %dma_start3A_38 = tpu.memref_slice %arg4[%add3A_22, %dma_start3A_37] : memref<2560x128xi32, #tpu.memory_space<hbm>> -> memref<40x128xi32, #tpu.memory_space<hbm>>
        tpu.enqueue_dma source(%dma_start3A_38 : memref<40x128xi32, #tpu.memory_space<hbm>>) target(%arg8 : memref<40x128xi32, #tpu.memory_space<vmem>>) target_semaphore(%run_scoped3A : memref<!tpu.dma_semaphore, #tpu.memory_space<semaphore_mem>>)
        %dma_wait3A = arith.constant 0 : i32
        %dma_wait3A_39 = tpu.memref_slice %arg4[%add3A_22, %dma_wait3A] : memref<2560x128xi32, #tpu.memory_space<hbm>> -> memref<40x128xi32, #tpu.memory_space<hbm>>
        %dma_wait3A_40 = arith.constant 0 : i32
        %dma_wait3A_41 = tpu.memref_slice %arg4[%add3A_22, %dma_wait3A_40] : memref<2560x128xi32, #tpu.memory_space<hbm>> -> memref<40x128xi32, #tpu.memory_space<hbm>>
        tpu.wait_dma2 semaphore(%run_scoped3A : memref<!tpu.dma_semaphore, #tpu.memory_space<semaphore_mem>>) src(%dma_wait3A_41 : memref<40x128xi32, #tpu.memory_space<hbm>>) dst(%arg8 : memref<40x128xi32, #tpu.memory_space<vmem>>)
        tpu.yield
      }) : () -> ()
      %dma_start3A = arith.constant 0 : i32
      %dma_start3A_23 = arith.constant 0 : i32
      %dma_start3A_24 = tpu.memref_slice %arg7[%dma_start3A, %dma_start3A_23] : memref<40x128xi32, #tpu.memory_space<vmem>> -> memref<1x128xi32, #tpu.memory_space<vmem>>
      %dma_start3A_25 = tpu.memref_squeeze %dma_start3A_24 : memref<1x128xi32, #tpu.memory_space<vmem>> -> memref<128xi32, #tpu.memory_space<vmem>>
      %dma_start3A_26 = arith.constant 0 : i32
      %dma_start3A_27 = arith.constant 0 : i32
      %dma_start3A_28 = tpu.memref_slice %arg2[%dma_start3A_26, %dma_start3A_27] : memref<10000x128xf32, #tpu.memory_space<hbm>> -> memref<10000x128xf32, #tpu.memory_space<hbm>>
      tpu.enqueue_indirect_dma source(%dma_start3A_28 : memref<10000x128xf32, #tpu.memory_space<hbm>>) target(%arg9 : memref<128x128xf32, #tpu.memory_space<vmem>>) offsets(%dma_start3A_25 : memref<128xi32, #tpu.memory_space<vmem>>) semaphore(%arg12 : memref<!tpu.dma_semaphore, #tpu.memory_space<semaphore_mem>>)
      %scan3A_29 = arith.constant 0 : i32
      %scan3A_30 = arith.constant 0 : i32
      %scan3A_31 = arith.constant 20 : i32
      %scan3A_32 = arith.addi %scan3A_30, %scan3A_31 : i32
      %scan3A_33 = arith.constant 1 : i32
      scf.for %scan3A_35 = %scan3A_30 to %scan3A_32 step %scan3A_33  : i32 {
        %mul3A_36 = arith.constant 2 : i32
        %mul3A_37 = arith.muli %mul3A_36, %scan3A_35 : i32
        %add3A_38 = arith.constant 1 : i32
        %add3A_39 = arith.addi %mul3A_37, %add3A_38 : i32
        %dma_start3A_40 = arith.constant 0 : i32
        %dma_start3A_41 = tpu.memref_slice %arg7[%add3A_39, %dma_start3A_40] : memref<40x128xi32, #tpu.memory_space<vmem>> -> memref<1x128xi32, #tpu.memory_space<vmem>>
        %dma_start3A_42 = tpu.memref_squeeze %dma_start3A_41 : memref<1x128xi32, #tpu.memory_space<vmem>> -> memref<128xi32, #tpu.memory_space<vmem>>
        %dma_start3A_43 = arith.constant 0 : i32
        %dma_start3A_44 = arith.constant 0 : i32
        %dma_start3A_45 = tpu.memref_slice %arg2[%dma_start3A_43, %dma_start3A_44] : memref<10000x128xf32, #tpu.memory_space<hbm>> -> memref<10000x128xf32, #tpu.memory_space<hbm>>
        tpu.enqueue_indirect_dma source(%dma_start3A_45 : memref<10000x128xf32, #tpu.memory_space<hbm>>) target(%arg10 : memref<128x128xf32, #tpu.memory_space<vmem>>) offsets(%dma_start3A_42 : memref<128xi32, #tpu.memory_space<vmem>>) semaphore(%arg13 : memref<!tpu.dma_semaphore, #tpu.memory_space<semaphore_mem>>)
        %dma_wait3A = arith.constant 0 : i32
        %dma_wait3A_46 = tpu.memref_slice %arg7[%mul3A_37, %dma_wait3A] : memref<40x128xi32, #tpu.memory_space<vmem>> -> memref<1x128xi32, #tpu.memory_space<vmem>>
        %dma_wait3A_47 = tpu.memref_squeeze %dma_wait3A_46 : memref<1x128xi32, #tpu.memory_space<vmem>> -> memref<128xi32, #tpu.memory_space<vmem>>
        %dma_wait3A_48 = arith.constant 0 : i32
        %dma_wait3A_49 = arith.constant 0 : i32
        %dma_wait3A_50 = tpu.memref_slice %arg2[%dma_wait3A_48, %dma_wait3A_49] : memref<10000x128xf32, #tpu.memory_space<hbm>> -> memref<10000x128xf32, #tpu.memory_space<hbm>>
        tpu.wait_indirect_dma semaphore(%arg12 : memref<!tpu.dma_semaphore, #tpu.memory_space<semaphore_mem>>) src(%dma_wait3A_50 : memref<10000x128xf32, #tpu.memory_space<hbm>>) dst(%arg9 : memref<128x128xf32, #tpu.memory_space<vmem>>)
        "tpu.region"() ({
          %run_scoped3A = tpu.sem_alloc : memref<!tpu.dma_semaphore, #tpu.memory_space<semaphore_mem>>
          %dma_start3A_63 = arith.constant 0 : i32
          %dma_start3A_64 = tpu.memref_slice %arg8[%mul3A_37, %dma_start3A_63] : memref<40x128xi32, #tpu.memory_space<vmem>> -> memref<1x128xi32, #tpu.memory_space<vmem>>
          %dma_start3A_65 = tpu.memref_squeeze %dma_start3A_64 : memref<1x128xi32, #tpu.memory_space<vmem>> -> memref<128xi32, #tpu.memory_space<vmem>>
          %dma_start3A_66 = arith.constant 0 : i32
          %dma_start3A_67 = arith.constant 0 : i32
          %dma_start3A_68 = tpu.memref_slice %arg11[%dma_start3A_66, %dma_start3A_67] : memref<10240x128xf32, #tpu.memory_space<vmem_shared>> -> memref<10240x128xf32, #tpu.memory_space<vmem_shared>>
          tpu.enqueue_indirect_dma source(%arg9 : memref<128x128xf32, #tpu.memory_space<vmem>>) target(%dma_start3A_68 : memref<10240x128xf32, #tpu.memory_space<vmem_shared>>) offsets(%dma_start3A_65 : memref<128xi32, #tpu.memory_space<vmem>>) semaphore(%run_scoped3A : memref<!tpu.dma_semaphore, #tpu.memory_space<semaphore_mem>>) {add = true}
          %dma_wait3A_69 = arith.constant 0 : i32
          %dma_wait3A_70 = tpu.memref_slice %arg8[%mul3A_37, %dma_wait3A_69] : memref<40x128xi32, #tpu.memory_space<vmem>> -> memref<1x128xi32, #tpu.memory_space<vmem>>
          %dma_wait3A_71 = tpu.memref_squeeze %dma_wait3A_70 : memref<1x128xi32, #tpu.memory_space<vmem>> -> memref<128xi32, #tpu.memory_space<vmem>>
          %dma_wait3A_72 = arith.constant 0 : i32
          %dma_wait3A_73 = arith.constant 0 : i32
          %dma_wait3A_74 = tpu.memref_slice %arg11[%dma_wait3A_72, %dma_wait3A_73] : memref<10240x128xf32, #tpu.memory_space<vmem_shared>> -> memref<10240x128xf32, #tpu.memory_space<vmem_shared>>
          tpu.wait_indirect_dma semaphore(%run_scoped3A : memref<!tpu.dma_semaphore, #tpu.memory_space<semaphore_mem>>) src(%arg9 : memref<128x128xf32, #tpu.memory_space<vmem>>) dst(%dma_wait3A_74 : memref<10240x128xf32, #tpu.memory_space<vmem_shared>>)
          tpu.yield
        }) : () -> ()
        %lt3A = arith.constant 19 : i32
        %lt3A_51 = arith.cmpi slt, %scan3A_35, %lt3A : i32
        %convert_element_type3A = arith.extui %lt3A_51 : i1 to i32
        %cond3A = arith.constant 0 : i32
        %cond3A_52 = arith.cmpi ne, %convert_element_type3A, %cond3A : i32
        scf.if %cond3A_52 {
          %add3A_63 = arith.constant 2 : i32
          %add3A_64 = arith.addi %mul3A_37, %add3A_63 : i32
          %dma_start3A_65 = arith.constant 0 : i32
          %dma_start3A_66 = tpu.memref_slice %arg7[%add3A_64, %dma_start3A_65] : memref<40x128xi32, #tpu.memory_space<vmem>> -> memref<1x128xi32, #tpu.memory_space<vmem>>
          %dma_start3A_67 = tpu.memref_squeeze %dma_start3A_66 : memref<1x128xi32, #tpu.memory_space<vmem>> -> memref<128xi32, #tpu.memory_space<vmem>>
          %dma_start3A_68 = arith.constant 0 : i32
          %dma_start3A_69 = arith.constant 0 : i32
          %dma_start3A_70 = tpu.memref_slice %arg2[%dma_start3A_68, %dma_start3A_69] : memref<10000x128xf32, #tpu.memory_space<hbm>> -> memref<10000x128xf32, #tpu.memory_space<hbm>>
          tpu.enqueue_indirect_dma source(%dma_start3A_70 : memref<10000x128xf32, #tpu.memory_space<hbm>>) target(%arg9 : memref<128x128xf32, #tpu.memory_space<vmem>>) offsets(%dma_start3A_67 : memref<128xi32, #tpu.memory_space<vmem>>) semaphore(%arg12 : memref<!tpu.dma_semaphore, #tpu.memory_space<semaphore_mem>>)
        } else {
        }
        %add3A_53 = arith.constant 1 : i32
        %add3A_54 = arith.addi %mul3A_37, %add3A_53 : i32
        %dma_wait3A_55 = arith.constant 0 : i32
        %dma_wait3A_56 = tpu.memref_slice %arg7[%add3A_54, %dma_wait3A_55] : memref<40x128xi32, #tpu.memory_space<vmem>> -> memref<1x128xi32, #tpu.memory_space<vmem>>
        %dma_wait3A_57 = tpu.memref_squeeze %dma_wait3A_56 : memref<1x128xi32, #tpu.memory_space<vmem>> -> memref<128xi32, #tpu.memory_space<vmem>>
        %dma_wait3A_58 = arith.constant 0 : i32
        %dma_wait3A_59 = arith.constant 0 : i32
        %dma_wait3A_60 = tpu.memref_slice %arg2[%dma_wait3A_58, %dma_wait3A_59] : memref<10000x128xf32, #tpu.memory_space<hbm>> -> memref<10000x128xf32, #tpu.memory_space<hbm>>
        tpu.wait_indirect_dma semaphore(%arg13 : memref<!tpu.dma_semaphore, #tpu.memory_space<semaphore_mem>>) src(%dma_wait3A_60 : memref<10000x128xf32, #tpu.memory_space<hbm>>) dst(%arg10 : memref<128x128xf32, #tpu.memory_space<vmem>>)
        %add3A_61 = arith.constant 1 : i32
        %add3A_62 = arith.addi %mul3A_37, %add3A_61 : i32
        "tpu.region"() ({
          %run_scoped3A = tpu.sem_alloc : memref<!tpu.dma_semaphore, #tpu.memory_space<semaphore_mem>>
          %dma_start3A_63 = arith.constant 0 : i32
          %dma_start3A_64 = tpu.memref_slice %arg8[%add3A_62, %dma_start3A_63] : memref<40x128xi32, #tpu.memory_space<vmem>> -> memref<1x128xi32, #tpu.memory_space<vmem>>
          %dma_start3A_65 = tpu.memref_squeeze %dma_start3A_64 : memref<1x128xi32, #tpu.memory_space<vmem>> -> memref<128xi32, #tpu.memory_space<vmem>>
          %dma_start3A_66 = arith.constant 0 : i32
          %dma_start3A_67 = arith.constant 0 : i32
          %dma_start3A_68 = tpu.memref_slice %arg11[%dma_start3A_66, %dma_start3A_67] : memref<10240x128xf32, #tpu.memory_space<vmem_shared>> -> memref<10240x128xf32, #tpu.memory_space<vmem_shared>>
          tpu.enqueue_indirect_dma source(%arg10 : memref<128x128xf32, #tpu.memory_space<vmem>>) target(%dma_start3A_68 : memref<10240x128xf32, #tpu.memory_space<vmem_shared>>) offsets(%dma_start3A_65 : memref<128xi32, #tpu.memory_space<vmem>>) semaphore(%run_scoped3A : memref<!tpu.dma_semaphore, #tpu.memory_space<semaphore_mem>>) {add = true}
          %dma_wait3A_69 = arith.constant 0 : i32
          %dma_wait3A_70 = tpu.memref_slice %arg8[%add3A_62, %dma_wait3A_69] : memref<40x128xi32, #tpu.memory_space<vmem>> -> memref<1x128xi32, #tpu.memory_space<vmem>>
          %dma_wait3A_71 = tpu.memref_squeeze %dma_wait3A_70 : memref<1x128xi32, #tpu.memory_space<vmem>> -> memref<128xi32, #tpu.memory_space<vmem>>
          %dma_wait3A_72 = arith.constant 0 : i32
          %dma_wait3A_73 = arith.constant 0 : i32
          %dma_wait3A_74 = tpu.memref_slice %arg11[%dma_wait3A_72, %dma_wait3A_73] : memref<10240x128xf32, #tpu.memory_space<vmem_shared>> -> memref<10240x128xf32, #tpu.memory_space<vmem_shared>>
          tpu.wait_indirect_dma semaphore(%run_scoped3A : memref<!tpu.dma_semaphore, #tpu.memory_space<semaphore_mem>>) src(%arg10 : memref<128x128xf32, #tpu.memory_space<vmem>>) dst(%dma_wait3A_74 : memref<10240x128xf32, #tpu.memory_space<vmem_shared>>)
          tpu.yield
        }) : () -> ()
      }
      %scan3A_34 = arith.constant 20 : i32
    }
    %scan3A_7 = arith.constant 2 : i32
    %barrier3A_8 = arith.constant 0 : index
    tpu.barrier barrier_id(%barrier3A_8)
    %mul3A_9 = arith.constant 10240 : i32
    %mul3A_10 = arith.muli %arg0, %mul3A_9 : i32
    %add3A_11 = arith.addi %mul3A_10, %mul3A_2 : i32
    "tpu.region"() ({
      %run_scoped3A = tpu.sem_alloc : memref<!tpu.dma_semaphore, #tpu.memory_space<semaphore_mem>>
      %dma_start3A = arith.constant 0 : i32
      %dma_start3A_12 = tpu.memref_slice %arg6[%add3A_11, %dma_start3A] : memref<20480x128xf32, #tpu.memory_space<hbm>> -> memref<640x128xf32, #tpu.memory_space<hbm>>
      %dma_start3A_13 = arith.constant 0 : i32
      %dma_start3A_14 = tpu.memref_slice %arg11[%mul3A_2, %dma_start3A_13] : memref<10240x128xf32, #tpu.memory_space<vmem_shared>> -> memref<640x128xf32, #tpu.memory_space<vmem_shared>>
      tpu.enqueue_dma source(%dma_start3A_14 : memref<640x128xf32, #tpu.memory_space<vmem_shared>>) target(%dma_start3A_12 : memref<640x128xf32, #tpu.memory_space<hbm>>) target_semaphore(%run_scoped3A : memref<!tpu.dma_semaphore, #tpu.memory_space<semaphore_mem>>)
      %dma_wait3A = arith.constant 0 : i32
      %dma_wait3A_15 = tpu.memref_slice %arg6[%add3A_11, %dma_wait3A] : memref<20480x128xf32, #tpu.memory_space<hbm>> -> memref<640x128xf32, #tpu.memory_space<hbm>>
      %dma_wait3A_16 = arith.constant 0 : i32
      %dma_wait3A_17 = tpu.memref_slice %arg11[%mul3A_2, %dma_wait3A_16] : memref<10240x128xf32, #tpu.memory_space<vmem_shared>> -> memref<640x128xf32, #tpu.memory_space<vmem_shared>>
      tpu.wait_dma2 semaphore(%run_scoped3A : memref<!tpu.dma_semaphore, #tpu.memory_space<semaphore_mem>>) src(%dma_wait3A_17 : memref<640x128xf32, #tpu.memory_space<vmem_shared>>) dst(%dma_wait3A_15 : memref<640x128xf32, #tpu.memory_space<hbm>>)
      tpu.yield
    }) : () -> ()
    return
  }
}

module attributes {stable_mosaic.version = 14 : i64} {
  func.func @_prep_body(%arg0: memref<10000x1xi32, #tpu.memory_space<vmem>>, %arg1: memref<65x128xf32, #tpu.memory_space<vmem>>, %arg2: memref<128x128xf32, #tpu.memory_space<vmem>>, %arg3: memref<128x128xf32, #tpu.memory_space<vmem>>, %arg4: memref<10000x128xf32, #tpu.memory_space<vmem>>, %arg5: memref<10000x128xf32, #tpu.memory_space<vmem>>) attributes {dimension_semantics = [], scalar_prefetch = 0 : i64, scratch_operands = 0 : i64, tpu.core_type = #tpu.core_type<tc>} {
    %iota3A = tpu.iota {dimensions = array<i32: 1>} : vector<1x65xi32>
    %get3A = arith.constant 0 : index
    %get3A_0 = arith.constant 0 : index
    %get3A_1 = vector.load %arg0[%get3A, %get3A_0] : memref<10000x1xi32, #tpu.memory_space<vmem>>, vector<10000x1xi32>
    %eq3A = vector.broadcast %get3A_1 : vector<10000x1xi32> to vector<10000x65xi32>
    %eq3A_2 = vector.broadcast %iota3A : vector<1x65xi32> to vector<10000x65xi32>
    %eq3A_3 = arith.cmpi eq, %eq3A, %eq3A_2 : vector<10000x65xi32>
    %jit3A = arith.constant 1.000000e+00 : f32
    %jit3A_4 = arith.constant 0.000000e+00 : f32
    %broadcast_in_dim3A = vector.broadcast %jit3A : f32 to vector<10000x65xf32>
    %broadcast_in_dim3A_5 = vector.broadcast %jit3A_4 : f32 to vector<10000x65xf32>
    %select_n3A = arith.select %eq3A_3, %broadcast_in_dim3A, %broadcast_in_dim3A_5 : vector<10000x65xi1>, vector<10000x65xf32>
    %get3A_6 = arith.constant 0 : index
    %get3A_7 = arith.constant 0 : index
    %get3A_8 = vector.load %arg1[%get3A_6, %get3A_7] : memref<65x128xf32, #tpu.memory_space<vmem>>, vector<65x128xf32>
    %get3A_9 = arith.constant 0 : index
    %get3A_10 = arith.constant 0 : index
    %get3A_11 = vector.load %arg2[%get3A_9, %get3A_10] : memref<128x128xf32, #tpu.memory_space<vmem>>, vector<128x128xf32>
    %dot_general3A = arith.constant dense<0.000000e+00> : vector<65x128xf32>
    %dot_general3A_12 = tpu.matmul %get3A_8, %get3A_11, %dot_general3A {dimension_numbers = #tpu.dot_dimension_numbers<[1], [0], [0], [1], [0, 0, 1, 1], [], []>, transpose_lhs_hint = false} : vector<65x128xf32>, vector<128x128xf32>, vector<65x128xf32> -> vector<65x128xf32>
    %get3A_13 = arith.constant 0 : index
    %get3A_14 = arith.constant 0 : index
    %get3A_15 = vector.load %arg1[%get3A_13, %get3A_14] : memref<65x128xf32, #tpu.memory_space<vmem>>, vector<65x128xf32>
    %get3A_16 = arith.constant 0 : index
    %get3A_17 = arith.constant 0 : index
    %get3A_18 = vector.load %arg3[%get3A_16, %get3A_17] : memref<128x128xf32, #tpu.memory_space<vmem>>, vector<128x128xf32>
    %dot_general3A_19 = arith.constant dense<0.000000e+00> : vector<65x128xf32>
    %dot_general3A_20 = tpu.matmul %get3A_15, %get3A_18, %dot_general3A_19 {dimension_numbers = #tpu.dot_dimension_numbers<[1], [0], [0], [1], [0, 0, 1, 1], [], []>, transpose_lhs_hint = false} : vector<65x128xf32>, vector<128x128xf32>, vector<65x128xf32> -> vector<65x128xf32>
    %dot_general3A_21 = arith.constant dense<0.000000e+00> : vector<10000x128xf32>
    %dot_general3A_22 = tpu.matmul %select_n3A, %dot_general3A_12, %dot_general3A_21 {dimension_numbers = #tpu.dot_dimension_numbers<[1], [0], [0], [1], [0, 0, 1, 1], [], []>, transpose_lhs_hint = false} : vector<10000x65xf32>, vector<65x128xf32>, vector<10000x128xf32> -> vector<10000x128xf32>
    %swap3A = arith.constant 0 : index
    %swap3A_23 = arith.constant 0 : index
    %swap3A_24 = vector.load %arg4[%swap3A, %swap3A_23] : memref<10000x128xf32, #tpu.memory_space<vmem>>, vector<10000x128xf32>
    tpu.vector_store %arg4[%swap3A, %swap3A_23], %dot_general3A_22 {strides = array<i32>} : memref<10000x128xf32, #tpu.memory_space<vmem>>, vector<10000x128xf32>,
    %dot_general3A_25 = arith.constant dense<0.000000e+00> : vector<10000x128xf32>
    %dot_general3A_26 = tpu.matmul %select_n3A, %dot_general3A_20, %dot_general3A_25 {dimension_numbers = #tpu.dot_dimension_numbers<[1], [0], [0], [1], [0, 0, 1, 1], [], []>, transpose_lhs_hint = false} : vector<10000x65xf32>, vector<65x128xf32>, vector<10000x128xf32> -> vector<10000x128xf32>
    %swap3A_27 = arith.constant 0 : index
    %swap3A_28 = arith.constant 0 : index
    %swap3A_29 = vector.load %arg5[%swap3A_27, %swap3A_28] : memref<10000x128xf32, #tpu.memory_space<vmem>>, vector<10000x128xf32>
    tpu.vector_store %arg5[%swap3A_27, %swap3A_28], %dot_general3A_26 {strides = array<i32>} : memref<10000x128xf32, #tpu.memory_space<vmem>>, vector<10000x128xf32>,
    return
  }
}

module attributes {stable_mosaic.version = 14 : i64} {
  func.func @_mid_body(%arg0: memref<20480x128xf32, #tpu.memory_space<vmem>>, %arg1: memref<20480x128xf32, #tpu.memory_space<vmem>>, %arg2: memref<10000x128xf32, #tpu.memory_space<vmem>>, %arg3: memref<1x128xf32, #tpu.memory_space<vmem>>, %arg4: memref<128x128xf32, #tpu.memory_space<vmem>>, %arg5: memref<128x128xf32, #tpu.memory_space<vmem>>, %arg6: memref<10000x128xf32, #tpu.memory_space<vmem>>, %arg7: memref<10000x128xf32, #tpu.memory_space<vmem>>, %arg8: memref<10000x1xf32, #tpu.memory_space<vmem>>) attributes {dimension_semantics = [], scalar_prefetch = 0 : i64, scratch_operands = 0 : i64, tpu.core_type = #tpu.core_type<tc>} {
    %get3A = arith.constant 0 : index
    %get3A_0 = arith.constant 0 : index
    %get3A_1 = vector.load %arg0[%get3A, %get3A_0] : memref<20480x128xf32, #tpu.memory_space<vmem>>, vector<10000x128xf32>
    %get3A_2 = arith.constant 10240 : index
    %get3A_3 = arith.constant 0 : index
    %get3A_4 = vector.load %arg0[%get3A_2, %get3A_3] : memref<20480x128xf32, #tpu.memory_space<vmem>>, vector<10000x128xf32>
    %add3A = arith.addf %get3A_1, %get3A_4 : vector<10000x128xf32>
    %get3A_5 = arith.constant 0 : index
    %get3A_6 = arith.constant 0 : index
    %get3A_7 = vector.load %arg1[%get3A_5, %get3A_6] : memref<20480x128xf32, #tpu.memory_space<vmem>>, vector<10000x1xf32>
    %get3A_8 = arith.constant 10240 : index
    %get3A_9 = arith.constant 0 : index
    %get3A_10 = vector.load %arg1[%get3A_8, %get3A_9] : memref<20480x128xf32, #tpu.memory_space<vmem>>, vector<10000x1xf32>
    %add3A_11 = arith.addf %get3A_7, %get3A_10 : vector<10000x1xf32>
    %max3A = arith.constant 1.000000e+00 : f32
    %max3A_12 = vector.broadcast %max3A : f32 to vector<10000x1xf32>
    %max3A_13 = arith.maximumf %add3A_11, %max3A_12 : vector<10000x1xf32>
    %div3A = arith.constant 1.000000e+00 : f32
    %div3A_14 = vector.broadcast %div3A : f32 to vector<10000x1xf32>
    %div3A_15 = arith.divf %div3A_14, %max3A_13 : vector<10000x1xf32>
    %mul3A = vector.broadcast %div3A_15 : vector<10000x1xf32> to vector<10000x128xf32>
    %mul3A_16 = arith.mulf %add3A, %mul3A : vector<10000x128xf32>
    %get3A_17 = arith.constant 0 : index
    %get3A_18 = arith.constant 0 : index
    %get3A_19 = vector.load %arg3[%get3A_17, %get3A_18] : memref<1x128xf32, #tpu.memory_space<vmem>>, vector<1x128xf32>
    %add3A_20 = vector.broadcast %get3A_19 : vector<1x128xf32> to vector<10000x128xf32>
    %add3A_21 = arith.addf %mul3A_16, %add3A_20 : vector<10000x128xf32>
    %get3A_22 = arith.constant 0 : index
    %get3A_23 = arith.constant 0 : index
    %get3A_24 = vector.load %arg2[%get3A_22, %get3A_23] : memref<10000x128xf32, #tpu.memory_space<vmem>>, vector<10000x128xf32>
    %add3A_25 = arith.addf %add3A_21, %get3A_24 : vector<10000x128xf32>
    %max3A_26 = arith.constant 0.000000e+00 : f32
    %max3A_27 = vector.broadcast %max3A_26 : f32 to vector<10000x128xf32>
    %max3A_28 = arith.maximumf %add3A_25, %max3A_27 : vector<10000x128xf32>
    %get3A_29 = arith.constant 0 : index
    %get3A_30 = arith.constant 0 : index
    %get3A_31 = vector.load %arg4[%get3A_29, %get3A_30] : memref<128x128xf32, #tpu.memory_space<vmem>>, vector<128x128xf32>
    %dot_general3A = arith.constant dense<0.000000e+00> : vector<10000x128xf32>
    %dot_general3A_32 = tpu.matmul %max3A_28, %get3A_31, %dot_general3A {dimension_numbers = #tpu.dot_dimension_numbers<[1], [0], [0], [1], [0, 0, 1, 1], [], []>, transpose_lhs_hint = false} : vector<10000x128xf32>, vector<128x128xf32>, vector<10000x128xf32> -> vector<10000x128xf32>
    %swap3A = arith.constant 0 : index
    %swap3A_33 = arith.constant 0 : index
    %swap3A_34 = vector.load %arg6[%swap3A, %swap3A_33] : memref<10000x128xf32, #tpu.memory_space<vmem>>, vector<10000x128xf32>
    tpu.vector_store %arg6[%swap3A, %swap3A_33], %dot_general3A_32 {strides = array<i32>} : memref<10000x128xf32, #tpu.memory_space<vmem>>, vector<10000x128xf32>,
    %get3A_35 = arith.constant 0 : index
    %get3A_36 = arith.constant 0 : index
    %get3A_37 = vector.load %arg5[%get3A_35, %get3A_36] : memref<128x128xf32, #tpu.memory_space<vmem>>, vector<128x128xf32>
    %dot_general3A_38 = arith.constant dense<0.000000e+00> : vector<10000x128xf32>
    %dot_general3A_39 = tpu.matmul %max3A_28, %get3A_37, %dot_general3A_38 {dimension_numbers = #tpu.dot_dimension_numbers<[1], [0], [0], [1], [0, 0, 1, 1], [], []>, transpose_lhs_hint = false} : vector<10000x128xf32>, vector<128x128xf32>, vector<10000x128xf32> -> vector<10000x128xf32>
    %swap3A_40 = arith.constant 0 : index
    %swap3A_41 = arith.constant 0 : index
    %swap3A_42 = vector.load %arg7[%swap3A_40, %swap3A_41] : memref<10000x128xf32, #tpu.memory_space<vmem>>, vector<10000x128xf32>
    tpu.vector_store %arg7[%swap3A_40, %swap3A_41], %dot_general3A_39 {strides = array<i32>} : memref<10000x128xf32, #tpu.memory_space<vmem>>, vector<10000x128xf32>,
    %swap3A_43 = arith.constant 0 : index
    %swap3A_44 = arith.constant 0 : index
    %swap3A_45 = vector.load %arg8[%swap3A_43, %swap3A_44] : memref<10000x1xf32, #tpu.memory_space<vmem>>, vector<10000x1xf32>
    tpu.vector_store %arg8[%swap3A_43, %swap3A_44], %div3A_15 {strides = array<i32>} : memref<10000x1xf32, #tpu.memory_space<vmem>>, vector<10000x1xf32>,
    return
  }
}

module attributes {stable_mosaic.version = 14 : i64} {
  func.func @_fin_body(%arg0: memref<20480x128xf32, #tpu.memory_space<vmem>>, %arg1: memref<10000x1xf32, #tpu.memory_space<vmem>>, %arg2: memref<10000x128xf32, #tpu.memory_space<vmem>>, %arg3: memref<1x128xf32, #tpu.memory_space<vmem>>, %arg4: memref<50x128xf32, #tpu.memory_space<vmem>>) attributes {dimension_semantics = [], scalar_prefetch = 0 : i64, scratch_operands = 0 : i64, tpu.core_type = #tpu.core_type<tc>} {
    %get3A = arith.constant 0 : index
    %get3A_0 = arith.constant 0 : index
    %get3A_1 = vector.load %arg0[%get3A, %get3A_0] : memref<20480x128xf32, #tpu.memory_space<vmem>>, vector<10000x128xf32>
    %get3A_2 = arith.constant 10240 : index
    %get3A_3 = arith.constant 0 : index
    %get3A_4 = vector.load %arg0[%get3A_2, %get3A_3] : memref<20480x128xf32, #tpu.memory_space<vmem>>, vector<10000x128xf32>
    %add3A = arith.addf %get3A_1, %get3A_4 : vector<10000x128xf32>
    %get3A_5 = arith.constant 0 : index
    %get3A_6 = arith.constant 0 : index
    %get3A_7 = vector.load %arg1[%get3A_5, %get3A_6] : memref<10000x1xf32, #tpu.memory_space<vmem>>, vector<10000x1xf32>
    %mul3A = vector.broadcast %get3A_7 : vector<10000x1xf32> to vector<10000x128xf32>
    %mul3A_8 = arith.mulf %add3A, %mul3A : vector<10000x128xf32>
    %get3A_9 = arith.constant 0 : index
    %get3A_10 = arith.constant 0 : index
    %get3A_11 = vector.load %arg3[%get3A_9, %get3A_10] : memref<1x128xf32, #tpu.memory_space<vmem>>, vector<1x128xf32>
    %add3A_12 = vector.broadcast %get3A_11 : vector<1x128xf32> to vector<10000x128xf32>
    %add3A_13 = arith.addf %mul3A_8, %add3A_12 : vector<10000x128xf32>
    %get3A_14 = arith.constant 0 : index
    %get3A_15 = arith.constant 0 : index
    %get3A_16 = vector.load %arg2[%get3A_14, %get3A_15] : memref<10000x128xf32, #tpu.memory_space<vmem>>, vector<10000x128xf32>
    %add3A_17 = arith.addf %add3A_13, %get3A_16 : vector<10000x128xf32>
    %max3A = arith.constant 0.000000e+00 : f32
    %max3A_18 = vector.broadcast %max3A : f32 to vector<10000x128xf32>
    %max3A_19 = arith.maximumf %add3A_17, %max3A_18 : vector<10000x128xf32>
    %iota3A = tpu.iota {dimensions = array<i32: 1>} : vector<50x10000xi32>
    %iota3A_20 = tpu.iota {dimensions = array<i32: 0>} : vector<50x10000xi32>
    %jit3A = arith.constant 50 : i32
    %eq3A = arith.constant 0 : i32
    %eq3A_21 = arith.cmpi eq, %jit3A, %eq3A : i32
    %jit3A_22 = arith.constant 1 : i32
    %select_n3A = arith.select %eq3A_21, %jit3A_22, %jit3A : i32
    %rem3A = vector.broadcast %select_n3A : i32 to vector<50x10000xi32>
    %rem3A_23 = arith.remsi %iota3A, %rem3A : vector<50x10000xi32>
    %ne3A = arith.constant 0 : i32
    %ne3A_24 = vector.broadcast %ne3A : i32 to vector<50x10000xi32>
    %ne3A_25 = arith.cmpi ne, %rem3A_23, %ne3A_24 : vector<50x10000xi32>
    %lt3A = arith.constant 0 : i32
    %lt3A_26 = vector.broadcast %lt3A : i32 to vector<50x10000xi32>
    %lt3A_27 = arith.cmpi slt, %rem3A_23, %lt3A_26 : vector<50x10000xi32>
    %lt3A_28 = arith.constant 0 : i32
    %lt3A_29 = arith.cmpi slt, %select_n3A, %lt3A_28 : i32
    %ne3A_30 = vector.broadcast %lt3A_29 : i1 to vector<50x10000xi1>
    %ne3A_31 = vector.broadcast %ne3A_30 : vector<50x10000xi1> to vector<50x10000xi1>
    %ne3A_32 = arith.xori %lt3A_27, %ne3A_31 : vector<50x10000xi1>
    %and3A = arith.andi %ne3A_32, %ne3A_25 : vector<50x10000xi1>
    %add3A_33 = vector.broadcast %select_n3A : i32 to vector<50x10000xi32>
    %add3A_34 = arith.addi %rem3A_23, %add3A_33 : vector<50x10000xi32>
    %select_n3A_35 = arith.select %and3A, %add3A_34, %rem3A_23 : vector<50x10000xi1>, vector<50x10000xi32>
    %eq3A_36 = arith.cmpi eq, %select_n3A_35, %iota3A_20 : vector<50x10000xi32>
    %jit3A_37 = arith.constant 5.000000e-03 : f32
    %jit3A_38 = arith.constant 0.000000e+00 : f32
    %broadcast_in_dim3A = vector.broadcast %jit3A_37 : f32 to vector<50x10000xf32>
    %broadcast_in_dim3A_39 = vector.broadcast %jit3A_38 : f32 to vector<50x10000xf32>
    %select_n3A_40 = arith.select %eq3A_36, %broadcast_in_dim3A, %broadcast_in_dim3A_39 : vector<50x10000xi1>, vector<50x10000xf32>
    %dot_general3A = arith.constant dense<0.000000e+00> : vector<50x128xf32>
    %dot_general3A_41 = tpu.matmul %select_n3A_40, %max3A_19, %dot_general3A {dimension_numbers = #tpu.dot_dimension_numbers<[1], [0], [0], [1], [0, 0, 1, 1], [], []>, transpose_lhs_hint = false} : vector<50x10000xf32>, vector<10000x128xf32>, vector<50x128xf32> -> vector<50x128xf32>
    %swap3A = arith.constant 0 : index
    %swap3A_42 = arith.constant 0 : index
    %swap3A_43 = vector.load %arg4[%swap3A, %swap3A_42] : memref<50x128xf32, #tpu.memory_space<vmem>>, vector<50x128xf32>
    tpu.vector_store %arg4[%swap3A, %swap3A_42], %dot_general3A_41 {strides = array<i32>} : memref<50x128xf32, #tpu.memory_space<vmem>>, vector<50x128xf32>,
    return
  }
}

</mosaic_0001>

<sc_bundles>
// kernel: _run.11.cloned.1.call-start
scs
__scs_entry_jumppad:
0x0: {  	(pc) =	sbr.rel $0x88, $3  }
0x1: {  	(tag) =	ssettag $0x0;
	lr =	simm.s32 $0x1  }
0x2: {  	[smem:$0x3F98] =	sst lr;
	_ =	strace $0xD0000000  }
0x3: {  	_ = 	snop  }
0x4: {  	_ = 	snop  }
0x5: {  	_ = 	snop  }
0x6: {  	_ = 	snop  }
0x7: {  	_ = 	snop  }
__scs_overlays_trampoline_lowered:
0x8: {  	[smem:$0x3FA7] =	sst s0  }
0x9: {  	[smem:$0x3FA8] =	sst s1  }
0xa: {  	[smem:$0x3FA9] =	sst s2  }
0xb: {  	[smem:$0x3FAA] =	sst s3  }
0xc: {  	[smem:$0x3FAB] =	sst s4  }
0xd: {  	[smem:$0x3FAC] =	sst s5  }
0xe: {  	[smem:$0x3FAD] =	sst s6  }
0xf: {  	[smem:$0x3FAE] =	sst s7  }
0x10: {  	[smem:$0x3FAF] =	sst s8  }
0x11: {  	[smem:$0x3FB0] =	sst s9;
	s0 =	simm.s32 @!p0 $0x0  }
0x12: {  	s1 =	sld [smem:$0x3F96];
	s0 =	simm.s32 @p0 $0x1  }
0x13: {  	[smem:$0x3FB1] =	sst s0;
	s0 =	simm.s32 @!p1 $0x0  }
0x14: {  	s2 =	sld [smem:$0x3F95];
	s0 =	simm.s32 @p1 $0x1  }
0x15: {  	[smem:$0x3FB2] =	sst s0;
	s0 =	simm.s32 @!p2 $0x0  }
0x16: {  	s3 =	sld [smem:$0x3FDB];
	s0 =	simm.s32 @p2 $0x1  }
0x17: {  	s4 =	simm.s32 $0x1BF5;
	[smem:$0x3FB4] =	sst s0  }
0x18: {  	s0 =	sld [smem:$0x3F97];
	_ =	swait.ge [sflag:s4], $0x0  }
0x19: {  	s7 =	sld [smem:$0x3F98]  }
0x1a: {  	s8 =	sadd.s32 $0xFFFFE003, lr  }
0x1b: {  	s9 =	sadd.s32 $0xFFFFFEF7, lr;
	s5 =	simm.s32 $0xFFFFFFFF;
	p2 =	slt.u32 s8, $0xFFFFF086  }
0x1c: {  	p1 =	slt.u32 s9, $0xF7A;
	s5 =	simm.s32 @!p2 $0x0  }
0x1d: {  	s5 =	simm.s32 @p1 $0x1;
	p0 =	seq.s32 s7, s2  }
0x1e: {  	s7 =	smul.u32 @!p0 $0xF7A, s2;
	p2 =	seq.s32 @!p0 s5, $0x0  }
0x1f: {  	s9 =	smul.u32 $0xF7A, s1;
	s8 =	simm.s32 @!p0 $0x1BF5;
	p2 =	por !p2, p0  }
0x20: {  	[sflag:s8] =	ssyncset.s32 @!p0 $0xFFFFF086;
	s6 =	sadd.s32 @!p0 s3, s7;
	s7 =	simm.s32 @!p0 $0x108  }
0x21: {  	s3 =	sadd.s32 s3, s9;
	s6 =	sadd.s32 @!p0 $0x88, s6;
	s7 =	simm.s32 @p2 $0x1082  }
0x22: {  	[simem:s7], [sflag:s8] =	dma.local @!p0 [hbm:s6], $0xF7A  }
0x23: {  	s9 =	sor.u32 $0xD0000000, s2;
	s6 =	simm.s32 $0x108;
	_ =	swait.ge @!p0 [sflag:s8], $0x0  }
0x24: {  	s3 =	sadd.s32 $0x88, s3;
	s6 =	simm.s32 @!p1 $0x1082;
	[sflag:s4] =	ssyncset.s32 $0xFFFFF086  }
0x25: {  	[simem:s6], [sflag:s4] =	dma.local [hbm:s3], $0xF7A  }
0x26: {  	[smem:$0x3F98] =	sst s1;
	(tag) =	ssettag s2;
	_ =	strace s9  }
0x27: {  	s1 =	sld [smem:$0x3FA8]  }
0x28: {  	s2 =	sld [smem:$0x3FA9]  }
0x29: {  	s4 =	sld [smem:$0x3FAB]  }
0x2a: {  	p0 =	seq.s32 s5, $0x0;
	s5 =	sld [smem:$0x3FAC]  }
0x2b: {  	s6 =	sld [smem:$0x3FAD]  }
0x2c: {  	s7 =	sld [smem:$0x3FAE]  }
0x2d: {  	s3 =	simm.s32 $0x108;
	s8 =	sld [smem:$0x3FAF]  }
0x2e: {  	s3 =	simm.s32 @!p0 $0x1082;
	s9 =	sld [smem:$0x3FB0]  }
0x2f: {  	lr =	sadd.s32 s0, s3;
	s0 =	sld [smem:$0x3FA7]  }
0x30: {  	s3 =	sld [smem:$0x3FAA]  }
0x31: {  	[smem:$0x3FB3] =	sst s10  }
0x32: {  	s10 =	sld [smem:$0x3FB1];
	_ =	sdelay $0x3  }
0x33: {  	p0 =	seq.s32 s10, $0x1;
	s10 =	sld [smem:$0x3FB3];
	_ =	sdelay $0x3  }
0x34: {  	[smem:$0x3FB3] =	sst s10  }
0x35: {  	s10 =	sld [smem:$0x3FB2];
	_ =	sdelay $0x3  }
0x36: {  	p1 =	seq.s32 s10, $0x1;
	s10 =	sld [smem:$0x3FB3];
	_ =	sdelay $0x3  }
0x37: {  	[smem:$0x3FB3] =	sst s10  }
0x38: {  	s10 =	sld [smem:$0x3FB4]  }
0x39: {  	_ = 	snop;
	(pc) =	sbr.ind lr, $3  }
0x3a: {  	_ = 	snop  }
0x3b: {  	_ = 	snop  }
0x3c: {  	p2 =	seq.s32 s10, $0x1;
	s10 =	sld [smem:$0x3FB3]  }
0x3d: {  	_ =	shalt  }
0x3e: {  	_ =	shalt  }
0x3f: {  	_ =	shalt  }
0x40: {  	_ =	shalt  }
0x41: {  	_ =	shalt  }
0x42: {  	_ =	shalt  }
0x43: {  	_ =	shalt  }
0x44: {  	_ =	shalt  }
0x45: {  	_ =	shalt  }
0x46: {  	_ =	shalt  }
0x47: {  	_ =	shalt  }
0x48: {  	_ =	shalt  }
0x49: {  	_ =	shalt  }
0x4a: {  	_ =	shalt  }
0x4b: {  	_ =	shalt  }
0x4c: {  	_ =	shalt  }
0x4d: {  	_ =	shalt  }
0x4e: {  	_ =	shalt  }
0x4f: {  	_ =	shalt  }
0x50: {  	_ =	shalt  }
0x51: {  	_ =	shalt  }
0x52: {  	_ =	shalt  }
0x53: {  	_ =	shalt  }
0x54: {  	_ =	shalt  }
0x55: {  	_ =	shalt  }
0x56: {  	_ =	shalt  }
0x57: {  	_ =	shalt  }
0x58: {  	_ =	shalt  }
0x59: {  	_ =	shalt  }
0x5a: {  	_ =	shalt  }
0x5b: {  	_ =	shalt  }
0x5c: {  	_ =	shalt  }
0x5d: {  	_ =	shalt  }
0x5e: {  	_ =	shalt  }
0x5f: {  	_ =	shalt  }
0x60: {  	_ =	shalt  }
0x61: {  	_ =	shalt  }
0x62: {  	_ =	shalt  }
0x63: {  	_ =	shalt  }
0x64: {  	_ =	shalt  }
0x65: {  	_ =	shalt  }
0x66: {  	_ =	shalt  }
0x67: {  	_ =	shalt  }
0x68: {  	_ =	shalt  }
0x69: {  	_ =	shalt  }
0x6a: {  	_ =	shalt  }
0x6b: {  	_ =	shalt  }
0x6c: {  	_ =	shalt  }
0x6d: {  	_ =	shalt  }
0x6e: {  	_ =	shalt  }
0x6f: {  	_ =	shalt  }
0x70: {  	_ =	shalt  }
0x71: {  	_ =	shalt  }
0x72: {  	_ =	shalt  }
0x73: {  	_ =	shalt  }
0x74: {  	_ =	shalt  }
0x75: {  	_ =	shalt  }
0x76: {  	_ =	shalt  }
0x77: {  	_ =	shalt  }
0x78: {  	_ =	shalt  }
0x79: {  	_ =	shalt  }
0x7a: {  	_ =	shalt  }
0x7b: {  	_ =	shalt  }
0x7c: {  	_ =	shalt  }
0x7d: {  	_ =	shalt  }
0x7e: {  	_ =	shalt  }
0x7f: {  	_ =	shalt  }
0x80: {  	_ =	shalt  }
0x81: {  	_ =	shalt  }
0x82: {  	_ =	shalt  }
0x83: {  	_ =	shalt  }
0x84: {  	_ =	shalt  }
0x85: {  	_ =	shalt  }
0x86: {  	_ =	shalt  }
0x87: {  	_ =	shalt  }
.Lfunc_end0:
.L_simem_size_0:
called_computation.1_lowered:
.L_overlay_start_0:
0x88: {  	s2 =	sld [smem:$0x3FD9]  }
0x89: {  	s3 =	sld [smem:$0x3FFE];
	_ =	sdelay $0x1  }
0x8a: {  	s1 =	srdreg.scid  }
0x8b: {  	s0 =	sand.u32 $0x1, s1  }
0x8c: {  	s16 =	sshll.u32 s0, $0xA;
	s2 =	sadd.s32 s3, s2  }
0x8d: {  	s2 =	sadd.s32 s2, s16  }
0x8e: {  	[smem:$0x3FBF] =	sst s2  }
0x8f: {  	_ = 	snop  }
0x90: {  	(tm) =	ssettm $0x1  }
0x91: {  	s17 =	sld [smem:$0x3FFB];
	_ =	sdelay $0x3  }
0x92: {  	_ =	strace s17  }
0x93: {  	s2 =	sld [smem:$0x3FFC];
	_ =	sdelay $0x3  }
0x94: {  	_ =	strace s2  }
0x95: {  	s2 =	sld [smem:$0x3FFD];
	_ =	sdelay $0x3  }
0x96: {  	_ =	strace s2  }
0x97: {  	_ =	strace $0x8FFFFFFF  }
0x98: {  	s18 =	sld [smem:$0x3FDB];
	_ =	sdelay $0x1  }
0x99: {  	s19 =	simm.s32 $_scs_section_size  }
0x9a: {  	s4 =	simm.s32 $_size__tile_overlayer_lowered;
	s5 =	simm.s32 $_tile_overlayer_lowered  }
0x9b: {  	s22 =	simm.s32 $0x1BFF;
	s21 =	sshll.u32 s5, $0x1;
	s2 =	sadd.s32 s19, s18  }
0x9c: {  	s6 =	simm.s32 $0x0;
	s20 =	sshll.u32 s4, $0x1;
	s4 =	sadd.s32 s21, s2  }
0x9d: {  	[timem:s6], [sflag:s22] =	dma.local [hbm:s4], s20  }
0x9e: {  	_ =	swait.ge [sflag:s22], s20  }
0x9f: {  	s3 =	ssub.s32 $0x0, s20;
	[sflag:s22] =	ssyncset.done $0x0  }
0xa0: {  	[sflag:s22] =	ssyncadd.s32 s3;
	_ =	sdelay $0x1  }
0xa1: {  	s23 =	simm.s32 $0x1B8B  }
0xa2: {  	_ =	swait.ge [sflag:s23], $0x1  }
0xa3: {  	[sflag:s23] =	ssyncset.done $0x0  }
0xa4: {  	s25 =	simm.s32 $0x1B8E;
	s24 =	sld [smem:$0x3FFE];
	[sflag:s23] =	ssyncadd.s32 $0xFFFFFFFF  }
0xa5: {  	s26 =	simm.s32 $execute0_lowered;
	[smem:$0x3FD2] =	sst s25  }
0xa6: {  	s4 =	sshll.u32 s26, $0x1;
	_ =	strace $0x80000046;
	[dreg:$0x1] =	wrdreg $0xFFFFFFFF  }
0xa7: {  	s28 =	simm.s32 $_size_execute0_lowered;
	s2 =	sadd.s32 s2, s4;
	[dreg:$0x0] =	wrdreg $0x0  }
0xa8: {  	s4 =	sshll.u32 s28, $0x1;
	[dreg:$0x2] =	wrdreg s2  }
0xa9: {  	[dreg:$0x3] =	wrdreg s4  }
0xaa: {  	[dreg:$0x4] =	wrdreg $0xC0  }
0xab: {  	_ =	task [dreg:s6], $0x5FFFF  }
0xac: {  	[dreg:$0x1] =	wrdreg $0xFFFFFFFF  }
0xad: {  	[dreg:$0x0] =	wrdreg $0x60  }
0xae: {  	[dreg:$0x2] =	wrdreg s24  }
0xaf: {  	[dreg:$0x3] =	wrdreg $0xA8000  }
0xb0: {  	[dreg:$0x4] =	wrdreg $0xA  }
0xb1: {  	_ =	task.clear_ibuf [dreg:s6], $0x5FFFF;
	_ =	strace $0x90000046  }
0xb2: {  	s29 =	simm.s32 $0xA;
	_ =	strace $0x80000048  }
0xb3: {  	_ =	swait.ge [sflag:s29], $0x1  }
0xb4: {  	[sflag:s29] =	ssyncadd.s32 $0xFFFFFFFF  }
0xb5: {  	_ =	strace $0x90000048  }
0xb6: {  	_ =	sfence  }
0xb7: {  	s30 =	sld [smem:$0x0];
	_ =	sdelay $0x2  }
0xb8: {  	s31 =	sshll.u32 s1, $0xD;
	s1 =	sshrl.u32 s1, $0x2  }
0xb9: {  	s3 =	sand.u32 $0x4000, s31;
	s1 =	sadd.s32 s1, s30  }
0xba: {  	s0 =	sor.u32 s3, s0;
	s1 =	sshll.u32 s1, $0x11  }
0xbb: {  	s0 =	sor.u32 s1, s0  }
0xbc: {  	s0 =	sadd.s32 $0x8F2B, s0  }
0xbd: {  	[sflag:s0] =	ssyncadd.remote.s32 $0x1  }
0xbe: {  	_ =	sfence.sel $0xFFFF  }
0xbf: {  	[dreg:$0x0] =	wrdreg $0xFFFFFFFF;
	(pc) =	sbr.abs _section_cstart, $3  }
0xc0: {  	[dreg:$0x1] =	wrdreg $0xFFFFFFFF  }
0xc1: {  	_ =	task.clear_ibuf [dreg:s6], $0x2FFFF;
	_ =	strace $0x9FFFFFFF  }
0xc2: {  	(tm) =	ssettm $0x7FFFFFFF  }
0xc3: {  	_ =	shalt  }
tec
execute0_lowered:
.L_overlay_start_1:
0x0: {  	(tag) =	ssettag $0x1  }
0x1: {  	s6 =	rddreg [dreg:$0x0]  }
0x2: {  	s2 =	rddreg [dreg:$0x1]  }
0x3: {  	s0 =	rddreg [dreg:$0x2];
	s3 =	simm.s32 $0x0;
	s4 =	srdreg.scid  }
0x4: {  	s1 =	stileid.u32;
	s16 =	simm.s32 $0x80;
	s17 =	simm.s32 $0x2800  }
0x5: {  	s18 =	simm.s32 $0x6800;
	s19 =	simm.s32 $0x1;
	s20 =	simm.s32 $0x2  }
0x6: {  	s21 =	simm.s32 $0x1380;
	s22 =	simm.s32 $0x2700;
	s23 =	simm.s32 $0x2780  }
0x7: {  	s24 =	simm.s32 $0x0;
	[smem:$0x7FF] =	sst s3;
	s7 =	sand.u32 $0x1, s4  }
0x8: {  	s8 =	smul.u32 $0x2800, s1;
	s4 =	sadd.s32 $0x16000, s6;
	s11 =	sadd.s32 $0xC000, s6  }
0x9: {  	s12 =	sadd.s32 $0x2000, s6;
	s5 =	sadd.s32 $0x3D200, s6;
	s13 =	sshll.u32 s1, $0x1  }
0xa: {  	s14 =	smul.u32 $0x50000, s1;
	s31 =	sshll.u32 s1, $0x6;
	_ =	strace $0x80000047  }
0xb: {  	s9 =	smul.u32 $0x28000, s7;
	s28 =	ssub.s32 $0x2, s7;
	s29 =	sor.u32 s7, s13  }
0xc: {  	s10 =	sshrl.u32 s28, $0x1;
	s30 =	sshrl.u32 s14, $0x2;
	s13 =	smul.u32 $0x500, s29  }
0xd: {  	s8 =	sadd.s32 s8, s9;
	s9 =	ssub.s32 s28, s10;
	s14 =	sadd.s32 s30, s2  }
0xe: {  	s8 =	sadd.s32 s8, s6;
	s6 =	sor.u32 $0x1C03, s31;
	s15 =	sadd.s32 $0x280, s13  }
0xf: {  	s10 =	sadd.s32 s12, s13;
	s7 =	sadd.s32 $0x3FA00, s8;
	s8 =	smax.u32 s9, $0x1  }
0x10: {  	s9 =	sadd.s32 s11, s13;
	s11 =	sadd.s32 s11, s15;
	s12 =	sadd.s32 s12, s15  }
0x11: {  	s13 =	sshrl.u32 s14, $0x3;
	s14 =	simm.s32 $0x3;
	s15 =	simm.s32 $0x1400  }
.LBB2_1:
0x12: {  	[spmem:s13], [sflag:s6] =	dma.local [hbm:s5], $0x2800  }
0x13: {  	_ =	swait.ge [sflag:s14], $0x2800  }
0x14: {  	[sflag:s14] =	ssyncset.done $0x0  }
0x15: {  	[sflag:s14] =	ssyncadd.s32 $0xFFFFD800  }
0x16: {  	[bflag:$0x0] =	sbarrier.arrive $0xFFFF  }
0x17: {  	[tilespmem:s3], [sflag:$0x3] =	stream.linear.gather [hbm4b:s9+s3], $0x1400, $0x38;
	[tilespmem:$0x1E800] =	vst v63  }
0x18: {  	_ =	swait.ge [sflag:s14], $0x1400  }
0x19: {  	[sflag:s14] =	ssyncset.done $0x0  }
0x1a: {  	[sflag:s14] =	ssyncadd.s32 $0xFFFFEC00  }
0x1b: {  	[tilespmem:s15], [sflag:$0x3] =	stream.linear.gather [hbm4b:s10+s3], $0x1400, $0x38;
	[tilespmem:$0x1E800] =	vst v63  }
0x1c: {  	_ =	swait.ge [sflag:s14], $0x1400  }
0x1d: {  	[sflag:s14] =	ssyncset.done $0x0  }
0x1e: {  	[sflag:s14] =	ssyncadd.s32 $0xFFFFEC00  }
0x1f: {  	[tilespmem:s17], [sflag:$0x1] =	stream.indirect.gather [hbm4b:s4+s16], $0x80, s3, s16, $0xb8;
	[tilespmem:$0x1E800] =	vst v63  }
0x20: {  	s25 =	simm.s32 $0x80  }
0x21: {  	[tilespmem:s18], [sflag:$0x2] =	stream.indirect.gather [hbm4b:s4+s16], $0x80, s25, s16, $0xb8;
	[tilespmem:$0x1E800] =	vst v63  }
0x22: {  	_ =	swait.ge [sflag:s19], $0x4000  }
0x23: {  	[sflag:s19] =	ssyncset.done $0x0  }
0x24: {  	s29 =	simm.s32 $0x1400;
	[sflag:s19] =	ssyncadd.s32 $0xFFFFC000  }
0x25: {  	[spmem:s2] =	stream.indirect.scatter.add.f32 [tilespmem:s17], [sflag:$0x3], $0x80, s29, s16, $0xb8;
	[tilespmem:$0x1E800] =	vst v63  }
0x26: {  	_ =	swait.ge [sflag:s14], $0x4000  }
0x27: {  	[sflag:s14] =	ssyncset.done $0x0  }
0x28: {  	s30 =	simm.s32 $0x100;
	[sflag:s14] =	ssyncadd.s32 $0xFFFFC000  }
0x29: {  	[tilespmem:s17], [sflag:$0x1] =	stream.indirect.gather [hbm4b:s4+s16], $0x80, s30, s16, $0xb8;
	[tilespmem:$0x1E800] =	vst v63  }
0x2a: {  	_ =	swait.ge [sflag:s20], $0x4000  }
0x2b: {  	[sflag:s20] =	ssyncset.done $0x0  }
0x2c: {  	s31 =	simm.s32 $0x1480;
	[sflag:s20] =	ssyncadd.s32 $0xFFFFC000  }
0x2d: {  	[spmem:s2] =	stream.indirect.scatter.add.f32 [tilespmem:s18], [sflag:$0x3], $0x80, s31, s16, $0xb8;
	[tilespmem:$0x1E800] =	vst v63  }
0x2e: {  	_ =	swait.ge [sflag:s14], $0x4000  }
0x2f: {  	s26 =	simm.s32 $0x800;
	s25 =	simm.s32 $0x100;
	[sflag:s14] =	ssyncset.done $0x0  }
.LBB2_2:
0x30: {  	s28 =	sadd.s32 $0x80, s25  }
0x31: {  	[sflag:s14] =	ssyncadd.s32 $0xFFFFC000;
	s29 =	smov.u32 s26;
	s30 =	sadd.s32 $0x400, s26  }
0x32: {  	[tilespmem:s18], [sflag:$0x2] =	stream.indirect.gather [hbm4b:s4+s16], $0x80, s28, s16, $0xb8;
	[tilespmem:$0x1E800] =	vst v63  }
0x33: {  	p0 =	sne.s32 s26, $0x4800;
	_ =	swait.ge [sflag:s19], $0x4000  }
0x34: {  	[sflag:s19] =	ssyncset.done $0x0  }
0x35: {  	s26 =	sadd.s32 $0x1400, s25;
	[sflag:s19] =	ssyncadd.s32 $0xFFFFC000  }
0x36: {  	[spmem:s2] =	stream.indirect.scatter.add.f32 [tilespmem:s17], [sflag:$0x3], $0x80, s26, s16, $0xb8;
	[tilespmem:$0x1E800] =	vst v63  }
0x37: {  	_ =	swait.ge [sflag:s14], $0x4000  }
0x38: {  	[sflag:s14] =	ssyncset.done $0x0  }
0x39: {  	s26 =	sadd.s32 $0x100, s25;
	[sflag:s14] =	ssyncadd.s32 $0xFFFFC000  }
0x3a: {  	[tilespmem:s17], [sflag:$0x1] =	stream.indirect.gather [hbm4b:s4+s16], $0x80, s26, s16, $0xb8;
	[tilespmem:$0x1E800] =	vst v63  }
0x3b: {  	_ =	swait.ge [sflag:s20], $0x4000  }
.Ltmp0:
0x3c: {  	[sflag:s20] =	ssyncset.done $0x0;
	(pc) =	sbr.rel @p0 .LBB2_2-.Ltmp0, $4  }
0x3d: {  	s25 =	sadd.s32 $0x1480, s25;
	[sflag:s20] =	ssyncadd.s32 $0xFFFFC000  }
0x3e: {  	[spmem:s2] =	stream.indirect.scatter.add.f32 [tilespmem:s18], [sflag:$0x3], $0x80, s25, s16, $0xb8;
	[tilespmem:$0x1E800] =	vst v63  }
0x3f: {  	_ =	swait.ge [sflag:s14], $0x4000  }
0x40: {  	s26 =	smov.u32 s30;
	s25 =	sshra.s32 s29, $0x2;
	[sflag:s14] =	ssyncset.done $0x0  }
0x41: {  	s26 =	sadd.s32 $0x80, s25;
	[sflag:s14] =	ssyncadd.s32 $0xFFFFC000  }
0x42: {  	[tilespmem:s18], [sflag:$0x2] =	stream.indirect.gather [hbm4b:s4+s16], $0x80, s26, s16, $0xb8;
	[tilespmem:$0x1E800] =	vst v63  }
0x43: {  	_ =	swait.ge [sflag:s19], $0x4000  }
0x44: {  	[sflag:s19] =	ssyncset.done $0x0  }
0x45: {  	s29 =	sadd.s32 $0x1400, s25;
	[sflag:s19] =	ssyncadd.s32 $0xFFFFC000  }
0x46: {  	[spmem:s2] =	stream.indirect.scatter.add.f32 [tilespmem:s17], [sflag:$0x3], $0x80, s29, s16, $0xb8;
	[tilespmem:$0x1E800] =	vst v63  }
0x47: {  	_ =	swait.ge [sflag:s14], $0x4000  }
0x48: {  	[sflag:s14] =	ssyncset.done $0x0  }
0x49: {  	s30 =	sadd.s32 $0x100, s25;
	[sflag:s14] =	ssyncadd.s32 $0xFFFFC000  }
0x4a: {  	[tilespmem:s17], [sflag:$0x1] =	stream.indirect.gather [hbm4b:s4+s16], $0x80, s30, s16, $0xb8;
	[tilespmem:$0x1E800] =	vst v63  }
0x4b: {  	_ =	swait.ge [sflag:s20], $0x4000  }
0x4c: {  	[sflag:s20] =	ssyncset.done $0x0  }
0x4d: {  	s31 =	sadd.s32 $0x1480, s25;
	[sflag:s20] =	ssyncadd.s32 $0xFFFFC000  }
0x4e: {  	[spmem:s2] =	stream.indirect.scatter.add.f32 [tilespmem:s18], [sflag:$0x3], $0x80, s31, s16, $0xb8;
	[tilespmem:$0x1E800] =	vst v63  }
0x4f: {  	_ =	swait.ge [sflag:s14], $0x4000  }
0x50: {  	[sflag:s14] =	ssyncset.done $0x0  }
0x51: {  	[sflag:s14] =	ssyncadd.s32 $0xFFFFC000  }
0x52: {  	[tilespmem:s18], [sflag:$0x2] =	stream.indirect.gather [hbm4b:s4+s16], $0x80, s21, s16, $0xb8;
	[tilespmem:$0x1E800] =	vst v63  }
0x53: {  	_ =	swait.ge [sflag:s19], $0x4000  }
0x54: {  	[sflag:s19] =	ssyncset.done $0x0  }
0x55: {  	[sflag:s19] =	ssyncadd.s32 $0xFFFFC000  }
0x56: {  	[spmem:s2] =	stream.indirect.scatter.add.f32 [tilespmem:s17], [sflag:$0x3], $0x80, s22, s16, $0xb8;
	[tilespmem:$0x1E800] =	vst v63  }
0x57: {  	_ =	swait.ge [sflag:s14], $0x4000  }
0x58: {  	[sflag:s14] =	ssyncset.done $0x0  }
0x59: {  	[sflag:s14] =	ssyncadd.s32 $0xFFFFC000  }
0x5a: {  	_ =	swait.ge [sflag:s20], $0x4000  }
0x5b: {  	[sflag:s20] =	ssyncset.done $0x0  }
0x5c: {  	[sflag:s20] =	ssyncadd.s32 $0xFFFFC000  }
0x5d: {  	[spmem:s2] =	stream.indirect.scatter.add.f32 [tilespmem:s18], [sflag:$0x3], $0x80, s23, s16, $0xb8;
	[tilespmem:$0x1E800] =	vst v63  }
0x5e: {  	_ =	swait.ge [sflag:s14], $0x4000  }
0x5f: {  	[sflag:s14] =	ssyncset.done $0x0  }
0x60: {  	s26 =	simm.s32 $0x0;
	[sflag:s14] =	ssyncadd.s32 $0xFFFFC000  }
0x61: {  	[tilespmem:s26], [sflag:$0x3] =	stream.linear.gather [hbm4b:s11+s26], $0x1400, $0x38;
	[tilespmem:$0x1E800] =	vst v63  }
0x62: {  	_ =	swait.ge [sflag:s14], $0x1400  }
0x63: {  	[sflag:s14] =	ssyncset.done $0x0  }
0x64: {  	[sflag:s14] =	ssyncadd.s32 $0xFFFFEC00  }
0x65: {  	[tilespmem:s15], [sflag:$0x3] =	stream.linear.gather [hbm4b:s12+s26], $0x1400, $0x38;
	[tilespmem:$0x1E800] =	vst v63  }
0x66: {  	_ =	swait.ge [sflag:s14], $0x1400  }
0x67: {  	[sflag:s14] =	ssyncset.done $0x0  }
0x68: {  	[sflag:s14] =	ssyncadd.s32 $0xFFFFEC00  }
0x69: {  	[tilespmem:s17], [sflag:$0x1] =	stream.indirect.gather [hbm4b:s4+s16], $0x80, s26, s16, $0xb8;
	[tilespmem:$0x1E800] =	vst v63  }
0x6a: {  	s28 =	simm.s32 $0x80  }
0x6b: {  	[tilespmem:s18], [sflag:$0x2] =	stream.indirect.gather [hbm4b:s4+s16], $0x80, s28, s16, $0xb8;
	[tilespmem:$0x1E800] =	vst v63  }
0x6c: {  	_ =	swait.ge [sflag:s19], $0x4000  }
0x6d: {  	[sflag:s19] =	ssyncset.done $0x0  }
0x6e: {  	s29 =	simm.s32 $0x1400;
	[sflag:s19] =	ssyncadd.s32 $0xFFFFC000  }
0x6f: {  	[spmem:s2] =	stream.indirect.scatter.add.f32 [tilespmem:s17], [sflag:$0x3], $0x80, s29, s16, $0xb8;
	[tilespmem:$0x1E800] =	vst v63  }
0x70: {  	_ =	swait.ge [sflag:s14], $0x4000  }
0x71: {  	[sflag:s14] =	ssyncset.done $0x0  }
0x72: {  	s30 =	simm.s32 $0x100;
	[sflag:s14] =	ssyncadd.s32 $0xFFFFC000  }
0x73: {  	[tilespmem:s17], [sflag:$0x1] =	stream.indirect.gather [hbm4b:s4+s16], $0x80, s30, s16, $0xb8;
	[tilespmem:$0x1E800] =	vst v63  }
0x74: {  	_ =	swait.ge [sflag:s20], $0x4000  }
0x75: {  	[sflag:s20] =	ssyncset.done $0x0  }
0x76: {  	s31 =	simm.s32 $0x1480;
	[sflag:s20] =	ssyncadd.s32 $0xFFFFC000  }
0x77: {  	[spmem:s2] =	stream.indirect.scatter.add.f32 [tilespmem:s18], [sflag:$0x3], $0x80, s31, s16, $0xb8;
	[tilespmem:$0x1E800] =	vst v63  }
0x78: {  	_ =	swait.ge [sflag:s14], $0x4000  }
0x79: {  	s25 =	simm.s32 $0x100;
	s26 =	simm.s32 $0x800;
	[sflag:s14] =	ssyncset.done $0x0  }
.LBB2_4:
0x7a: {  	s28 =	sadd.s32 $0x80, s25  }
0x7b: {  	[sflag:s14] =	ssyncadd.s32 $0xFFFFC000;
	s29 =	smov.u32 s26;
	s30 =	sadd.s32 $0x400, s26  }
0x7c: {  	[tilespmem:s18], [sflag:$0x2] =	stream.indirect.gather [hbm4b:s4+s16], $0x80, s28, s16, $0xb8;
	[tilespmem:$0x1E800] =	vst v63  }
0x7d: {  	p0 =	sne.s32 s26, $0x4800;
	_ =	swait.ge [sflag:s19], $0x4000  }
0x7e: {  	[sflag:s19] =	ssyncset.done $0x0  }
0x7f: {  	s26 =	sadd.s32 $0x1400, s25;
	[sflag:s19] =	ssyncadd.s32 $0xFFFFC000  }
0x80: {  	[spmem:s2] =	stream.indirect.scatter.add.f32 [tilespmem:s17], [sflag:$0x3], $0x80, s26, s16, $0xb8;
	[tilespmem:$0x1E800] =	vst v63  }
0x81: {  	_ =	swait.ge [sflag:s14], $0x4000  }
0x82: {  	[sflag:s14] =	ssyncset.done $0x0  }
0x83: {  	s26 =	sadd.s32 $0x100, s25;
	[sflag:s14] =	ssyncadd.s32 $0xFFFFC000  }
0x84: {  	[tilespmem:s17], [sflag:$0x1] =	stream.indirect.gather [hbm4b:s4+s16], $0x80, s26, s16, $0xb8;
	[tilespmem:$0x1E800] =	vst v63  }
0x85: {  	_ =	swait.ge [sflag:s20], $0x4000  }
.Ltmp1:
0x86: {  	[sflag:s20] =	ssyncset.done $0x0;
	(pc) =	sbr.rel @p0 .LBB2_4-.Ltmp1, $4  }
0x87: {  	s25 =	sadd.s32 $0x1480, s25;
	[sflag:s20] =	ssyncadd.s32 $0xFFFFC000  }
0x88: {  	[spmem:s2] =	stream.indirect.scatter.add.f32 [tilespmem:s18], [sflag:$0x3], $0x80, s25, s16, $0xb8;
	[tilespmem:$0x1E800] =	vst v63  }
0x89: {  	_ =	swait.ge [sflag:s14], $0x4000  }
0x8a: {  	s26 =	smov.u32 s30;
	s25 =	sshra.s32 s29, $0x2;
	[sflag:s14] =	ssyncset.done $0x0  }
0x8b: {  	s26 =	sadd.s32 $0x80, s25;
	[sflag:s14] =	ssyncadd.s32 $0xFFFFC000  }
0x8c: {  	[tilespmem:s18], [sflag:$0x2] =	stream.indirect.gather [hbm4b:s4+s16], $0x80, s26, s16, $0xb8;
	[tilespmem:$0x1E800] =	vst v63  }
0x8d: {  	_ =	swait.ge [sflag:s19], $0x4000  }
0x8e: {  	[sflag:s19] =	ssyncset.done $0x0  }
0x8f: {  	s29 =	sadd.s32 $0x1400, s25;
	[sflag:s19] =	ssyncadd.s32 $0xFFFFC000  }
0x90: {  	[spmem:s2] =	stream.indirect.scatter.add.f32 [tilespmem:s17], [sflag:$0x3], $0x80, s29, s16, $0xb8;
	[tilespmem:$0x1E800] =	vst v63  }
0x91: {  	_ =	swait.ge [sflag:s14], $0x4000  }
0x92: {  	[sflag:s14] =	ssyncset.done $0x0  }
0x93: {  	s30 =	sadd.s32 $0x100, s25;
	[sflag:s14] =	ssyncadd.s32 $0xFFFFC000  }
0x94: {  	[tilespmem:s17], [sflag:$0x1] =	stream.indirect.gather [hbm4b:s4+s16], $0x80, s30, s16, $0xb8;
	[tilespmem:$0x1E800] =	vst v63  }
0x95: {  	_ =	swait.ge [sflag:s20], $0x4000  }
0x96: {  	[sflag:s20] =	ssyncset.done $0x0  }
0x97: {  	s31 =	sadd.s32 $0x1480, s25;
	[sflag:s20] =	ssyncadd.s32 $0xFFFFC000  }
0x98: {  	[spmem:s2] =	stream.indirect.scatter.add.f32 [tilespmem:s18], [sflag:$0x3], $0x80, s31, s16, $0xb8;
	[tilespmem:$0x1E800] =	vst v63  }
0x99: {  	_ =	swait.ge [sflag:s14], $0x4000  }
0x9a: {  	[sflag:s14] =	ssyncset.done $0x0  }
0x9b: {  	[sflag:s14] =	ssyncadd.s32 $0xFFFFC000  }
0x9c: {  	[tilespmem:s18], [sflag:$0x2] =	stream.indirect.gather [hbm4b:s4+s16], $0x80, s21, s16, $0xb8;
	[tilespmem:$0x1E800] =	vst v63  }
0x9d: {  	_ =	swait.ge [sflag:s19], $0x4000  }
0x9e: {  	[sflag:s19] =	ssyncset.done $0x0  }
0x9f: {  	[sflag:s19] =	ssyncadd.s32 $0xFFFFC000  }
0xa0: {  	[spmem:s2] =	stream.indirect.scatter.add.f32 [tilespmem:s17], [sflag:$0x3], $0x80, s22, s16, $0xb8;
	[tilespmem:$0x1E800] =	vst v63  }
0xa1: {  	_ =	swait.ge [sflag:s14], $0x4000  }
0xa2: {  	[sflag:s14] =	ssyncset.done $0x0  }
0xa3: {  	[sflag:s14] =	ssyncadd.s32 $0xFFFFC000  }
0xa4: {  	_ =	swait.ge [sflag:s20], $0x4000  }
0xa5: {  	[sflag:s20] =	ssyncset.done $0x0  }
0xa6: {  	[sflag:s20] =	ssyncadd.s32 $0xFFFFC000  }
0xa7: {  	[spmem:s2] =	stream.indirect.scatter.add.f32 [tilespmem:s18], [sflag:$0x3], $0x80, s23, s16, $0xb8;
	[tilespmem:$0x1E800] =	vst v63  }
0xa8: {  	_ =	swait.ge [sflag:s14], $0x4000  }
0xa9: {  	s24 =	sadd.s32 $0x1, s24;
	[sflag:s14] =	ssyncset.done $0x0  }
0xaa: {  	p0 =	sne.s32 s24, s8;
	[sflag:s14] =	ssyncadd.s32 $0xFFFFC000  }
.Ltmp2:
0xab: {  	[bflag:$0x0] =	sbarrier.arrive $0xFFFF;
	(pc) =	sbr.rel @p0 .LBB2_1-.Ltmp2, $4  }
0xac: {  	[hbm:s7], [sflag:s6] =	dma.local [spmem:s13], $0x2800  }
0xad: {  	_ =	swait.ge [sflag:s14], $0x2800  }
0xae: {  	[sflag:s14] =	ssyncset.done $0x0  }
0xaf: {  	[sflag:s14] =	ssyncadd.s32 $0xFFFFD800  }
0xb0: {  	_ =	sfence.sel $0x180000  }
0xb1: {  	[bflag:$0x0] =	sbarrier.arrive $0xFFFF  }
0xb2: {  	p0 =	sne.s32 s1, $0x0;
	_ =	strace $0x90000047  }
0xb3: {  	s0 =	sadd.s32 @!p0 $0x100000, s0;
	[bflag:$0x2] =	sbarrier.arrive $0xFFFF  }
0xb4: {  	[sflag:s0] =	ssyncadd.tile.s32 @!p0 $0x1;
	_ =	shalt  }
.Lfunc_end2:
_tile_overlayer_lowered:
.L_overlay_start_2:
0xb5: {  	(tag) =	ssettag $0x2  }
0xb6: {  	s0 =	rddreg [dreg:$0x0];
	s2 =	stileid.u32  }
0xb7: {  	s1 =	rddreg [dreg:$0x1];
	p0 =	sne.s32 s2, $0x0  }
0xb8: {  	s3 =	rddreg [dreg:$0x2];
	[bflag:$0x3] =	sbarrier.arrive $0xFFFF;
	s2 =	simm.s32 @!p0 $0x1C03  }
0xb9: {  	[timem:s3], [sflag:s2] =	dma.local @!p0 [hbm:s0], s1  }
0xba: {  	s0 =	simm.s32 @!p0 $0x3  }
0xbb: {  	_ =	swait.ge @!p0 [sflag:s0], s1  }
0xbc: {  	s1 =	ssub.s32 @!p0 $0x0, s1;
	[sflag:s0] =	ssyncset.done @!p0 $0x0  }
0xbd: {  	[sflag:s0] =	ssyncadd.s32 @!p0 s1  }
0xbe: {  	[bflag:$0x3] =	sbarrier.arrive $0xFFFF  }
0xbf: {  	_ =	shalt  }

// kernel: _run.14.cloned.1.call-start
scs
__scs_entry_jumppad:
0x0: {  	(pc) =	sbr.rel $0x88, $3  }
0x1: {  	(tag) =	ssettag $0x0;
	lr =	simm.s32 $0x1  }
0x2: {  	[smem:$0x3F98] =	sst lr;
	_ =	strace $0xD0000000  }
0x3: {  	_ = 	snop  }
0x4: {  	_ = 	snop  }
0x5: {  	_ = 	snop  }
0x6: {  	_ = 	snop  }
0x7: {  	_ = 	snop  }
__scs_overlays_trampoline_lowered:
0x8: {  	[smem:$0x3FA7] =	sst s0  }
0x9: {  	[smem:$0x3FA8] =	sst s1  }
0xa: {  	[smem:$0x3FA9] =	sst s2  }
0xb: {  	[smem:$0x3FAA] =	sst s3  }
0xc: {  	[smem:$0x3FAB] =	sst s4  }
0xd: {  	[smem:$0x3FAC] =	sst s5  }
0xe: {  	[smem:$0x3FAD] =	sst s6  }
0xf: {  	[smem:$0x3FAE] =	sst s7  }
0x10: {  	[smem:$0x3FAF] =	sst s8  }
0x11: {  	[smem:$0x3FB0] =	sst s9;
	s0 =	simm.s32 @!p0 $0x0  }
0x12: {  	s1 =	sld [smem:$0x3F96];
	s0 =	simm.s32 @p0 $0x1  }
0x13: {  	[smem:$0x3FB1] =	sst s0;
	s0 =	simm.s32 @!p1 $0x0  }
0x14: {  	s2 =	sld [smem:$0x3F95];
	s0 =	simm.s32 @p1 $0x1  }
0x15: {  	[smem:$0x3FB2] =	sst s0;
	s0 =	simm.s32 @!p2 $0x0  }
0x16: {  	s3 =	sld [smem:$0x3FDB];
	s0 =	simm.s32 @p2 $0x1  }
0x17: {  	s4 =	simm.s32 $0x1BF5;
	[smem:$0x3FB4] =	sst s0  }
0x18: {  	s0 =	sld [smem:$0x3F97];
	_ =	swait.ge [sflag:s4], $0x0  }
0x19: {  	s7 =	sld [smem:$0x3F98]  }
0x1a: {  	s8 =	sadd.s32 $0xFFFFE003, lr  }
0x1b: {  	s9 =	sadd.s32 $0xFFFFFEF7, lr;
	s5 =	simm.s32 $0xFFFFFFFF;
	p2 =	slt.u32 s8, $0xFFFFF086  }
0x1c: {  	p1 =	slt.u32 s9, $0xF7A;
	s5 =	simm.s32 @!p2 $0x0  }
0x1d: {  	s5 =	simm.s32 @p1 $0x1;
	p0 =	seq.s32 s7, s2  }
0x1e: {  	s7 =	smul.u32 @!p0 $0xF7A, s2;
	p2 =	seq.s32 @!p0 s5, $0x0  }
0x1f: {  	s9 =	smul.u32 $0xF7A, s1;
	s8 =	simm.s32 @!p0 $0x1BF5;
	p2 =	por !p2, p0  }
0x20: {  	[sflag:s8] =	ssyncset.s32 @!p0 $0xFFFFF086;
	s6 =	sadd.s32 @!p0 s3, s7;
	s7 =	simm.s32 @!p0 $0x108  }
0x21: {  	s3 =	sadd.s32 s3, s9;
	s6 =	sadd.s32 @!p0 $0x88, s6;
	s7 =	simm.s32 @p2 $0x1082  }
0x22: {  	[simem:s7], [sflag:s8] =	dma.local @!p0 [hbm:s6], $0xF7A  }
0x23: {  	s9 =	sor.u32 $0xD0000000, s2;
	s6 =	simm.s32 $0x108;
	_ =	swait.ge @!p0 [sflag:s8], $0x0  }
0x24: {  	s3 =	sadd.s32 $0x88, s3;
	s6 =	simm.s32 @!p1 $0x1082;
	[sflag:s4] =	ssyncset.s32 $0xFFFFF086  }
0x25: {  	[simem:s6], [sflag:s4] =	dma.local [hbm:s3], $0xF7A  }
0x26: {  	[smem:$0x3F98] =	sst s1;
	(tag) =	ssettag s2;
	_ =	strace s9  }
0x27: {  	s1 =	sld [smem:$0x3FA8]  }
0x28: {  	s2 =	sld [smem:$0x3FA9]  }
0x29: {  	s4 =	sld [smem:$0x3FAB]  }
0x2a: {  	p0 =	seq.s32 s5, $0x0;
	s5 =	sld [smem:$0x3FAC]  }
0x2b: {  	s6 =	sld [smem:$0x3FAD]  }
0x2c: {  	s7 =	sld [smem:$0x3FAE]  }
0x2d: {  	s3 =	simm.s32 $0x108;
	s8 =	sld [smem:$0x3FAF]  }
0x2e: {  	s3 =	simm.s32 @!p0 $0x1082;
	s9 =	sld [smem:$0x3FB0]  }
0x2f: {  	lr =	sadd.s32 s0, s3;
	s0 =	sld [smem:$0x3FA7]  }
0x30: {  	s3 =	sld [smem:$0x3FAA]  }
0x31: {  	[smem:$0x3FB3] =	sst s10  }
0x32: {  	s10 =	sld [smem:$0x3FB1];
	_ =	sdelay $0x3  }
0x33: {  	p0 =	seq.s32 s10, $0x1;
	s10 =	sld [smem:$0x3FB3];
	_ =	sdelay $0x3  }
0x34: {  	[smem:$0x3FB3] =	sst s10  }
0x35: {  	s10 =	sld [smem:$0x3FB2];
	_ =	sdelay $0x3  }
0x36: {  	p1 =	seq.s32 s10, $0x1;
	s10 =	sld [smem:$0x3FB3];
	_ =	sdelay $0x3  }
0x37: {  	[smem:$0x3FB3] =	sst s10  }
0x38: {  	s10 =	sld [smem:$0x3FB4]  }
0x39: {  	_ = 	snop;
	(pc) =	sbr.ind lr, $3  }
0x3a: {  	_ = 	snop  }
0x3b: {  	_ = 	snop  }
0x3c: {  	p2 =	seq.s32 s10, $0x1;
	s10 =	sld [smem:$0x3FB3]  }
0x3d: {  	_ =	shalt  }
0x3e: {  	_ =	shalt  }
0x3f: {  	_ =	shalt  }
0x40: {  	_ =	shalt  }
0x41: {  	_ =	shalt  }
0x42: {  	_ =	shalt  }
0x43: {  	_ =	shalt  }
0x44: {  	_ =	shalt  }
0x45: {  	_ =	shalt  }
0x46: {  	_ =	shalt  }
0x47: {  	_ =	shalt  }
0x48: {  	_ =	shalt  }
0x49: {  	_ =	shalt  }
0x4a: {  	_ =	shalt  }
0x4b: {  	_ =	shalt  }
0x4c: {  	_ =	shalt  }
0x4d: {  	_ =	shalt  }
0x4e: {  	_ =	shalt  }
0x4f: {  	_ =	shalt  }
0x50: {  	_ =	shalt  }
0x51: {  	_ =	shalt  }
0x52: {  	_ =	shalt  }
0x53: {  	_ =	shalt  }
0x54: {  	_ =	shalt  }
0x55: {  	_ =	shalt  }
0x56: {  	_ =	shalt  }
0x57: {  	_ =	shalt  }
0x58: {  	_ =	shalt  }
0x59: {  	_ =	shalt  }
0x5a: {  	_ =	shalt  }
0x5b: {  	_ =	shalt  }
0x5c: {  	_ =	shalt  }
0x5d: {  	_ =	shalt  }
0x5e: {  	_ =	shalt  }
0x5f: {  	_ =	shalt  }
0x60: {  	_ =	shalt  }
0x61: {  	_ =	shalt  }
0x62: {  	_ =	shalt  }
0x63: {  	_ =	shalt  }
0x64: {  	_ =	shalt  }
0x65: {  	_ =	shalt  }
0x66: {  	_ =	shalt  }
0x67: {  	_ =	shalt  }
0x68: {  	_ =	shalt  }
0x69: {  	_ =	shalt  }
0x6a: {  	_ =	shalt  }
0x6b: {  	_ =	shalt  }
0x6c: {  	_ =	shalt  }
0x6d: {  	_ =	shalt  }
0x6e: {  	_ =	shalt  }
0x6f: {  	_ =	shalt  }
0x70: {  	_ =	shalt  }
0x71: {  	_ =	shalt  }
0x72: {  	_ =	shalt  }
0x73: {  	_ =	shalt  }
0x74: {  	_ =	shalt  }
0x75: {  	_ =	shalt  }
0x76: {  	_ =	shalt  }
0x77: {  	_ =	shalt  }
0x78: {  	_ =	shalt  }
0x79: {  	_ =	shalt  }
0x7a: {  	_ =	shalt  }
0x7b: {  	_ =	shalt  }
0x7c: {  	_ =	shalt  }
0x7d: {  	_ =	shalt  }
0x7e: {  	_ =	shalt  }
0x7f: {  	_ =	shalt  }
0x80: {  	_ =	shalt  }
0x81: {  	_ =	shalt  }
0x82: {  	_ =	shalt  }
0x83: {  	_ =	shalt  }
0x84: {  	_ =	shalt  }
0x85: {  	_ =	shalt  }
0x86: {  	_ =	shalt  }
0x87: {  	_ =	shalt  }
.Lfunc_end0:
.L_simem_size_0:
called_computation.2_lowered:
.L_overlay_start_0:
0x88: {  	s2 =	sld [smem:$0x3FD9]  }
0x89: {  	s3 =	sld [smem:$0x3FFE];
	_ =	sdelay $0x1  }
0x8a: {  	s1 =	srdreg.scid  }
0x8b: {  	s0 =	sand.u32 $0x1, s1  }
0x8c: {  	s16 =	sshll.u32 s0, $0xA;
	s2 =	sadd.s32 s3, s2  }
0x8d: {  	s2 =	sadd.s32 s2, s16  }
0x8e: {  	[smem:$0x3FBF] =	sst s2  }
0x8f: {  	_ = 	snop  }
0x90: {  	(tm) =	ssettm $0x1  }
0x91: {  	s17 =	sld [smem:$0x3FFB];
	_ =	sdelay $0x3  }
0x92: {  	_ =	strace s17  }
0x93: {  	s2 =	sld [smem:$0x3FFC];
	_ =	sdelay $0x3  }
0x94: {  	_ =	strace s2  }
0x95: {  	s2 =	sld [smem:$0x3FFD];
	_ =	sdelay $0x3  }
0x96: {  	_ =	strace s2  }
0x97: {  	_ =	strace $0x8FFFFFFF  }
0x98: {  	s18 =	sld [smem:$0x3FDB];
	_ =	sdelay $0x1  }
0x99: {  	s19 =	simm.s32 $_scs_section_size  }
0x9a: {  	s4 =	simm.s32 $_size__tile_overlayer_lowered;
	s5 =	simm.s32 $_tile_overlayer_lowered  }
0x9b: {  	s22 =	simm.s32 $0x1BFF;
	s21 =	sshll.u32 s5, $0x1;
	s2 =	sadd.s32 s19, s18  }
0x9c: {  	s6 =	simm.s32 $0x0;
	s20 =	sshll.u32 s4, $0x1;
	s4 =	sadd.s32 s21, s2  }
0x9d: {  	[timem:s6], [sflag:s22] =	dma.local [hbm:s4], s20  }
0x9e: {  	_ =	swait.ge [sflag:s22], s20  }
0x9f: {  	s3 =	ssub.s32 $0x0, s20;
	[sflag:s22] =	ssyncset.done $0x0  }
0xa0: {  	[sflag:s22] =	ssyncadd.s32 s3;
	_ =	sdelay $0x1  }
0xa1: {  	s23 =	simm.s32 $0x1B8B  }
0xa2: {  	_ =	swait.ge [sflag:s23], $0x1  }
0xa3: {  	[sflag:s23] =	ssyncset.done $0x0  }
0xa4: {  	s25 =	simm.s32 $0x1B8E;
	s24 =	sld [smem:$0x3FFE];
	[sflag:s23] =	ssyncadd.s32 $0xFFFFFFFF  }
0xa5: {  	s26 =	simm.s32 $execute0_lowered;
	[smem:$0x3FD2] =	sst s25  }
0xa6: {  	s4 =	sshll.u32 s26, $0x1;
	_ =	strace $0x8000004C;
	[dreg:$0x1] =	wrdreg $0xFFFFFFFF  }
0xa7: {  	s28 =	simm.s32 $_size_execute0_lowered;
	s2 =	sadd.s32 s2, s4;
	[dreg:$0x0] =	wrdreg $0x0  }
0xa8: {  	s4 =	sshll.u32 s28, $0x1;
	[dreg:$0x2] =	wrdreg s2  }
0xa9: {  	[dreg:$0x3] =	wrdreg s4  }
0xaa: {  	[dreg:$0x4] =	wrdreg $0xC0  }
0xab: {  	_ =	task [dreg:s6], $0x5FFFF  }
0xac: {  	[dreg:$0x1] =	wrdreg $0xFFFFFFFF  }
0xad: {  	[dreg:$0x0] =	wrdreg $0x60  }
0xae: {  	[dreg:$0x2] =	wrdreg s24  }
0xaf: {  	[dreg:$0x3] =	wrdreg $0xA8000  }
0xb0: {  	[dreg:$0x4] =	wrdreg $0x9  }
0xb1: {  	_ =	task.clear_ibuf [dreg:s6], $0x5FFFF;
	_ =	strace $0x9000004C  }
0xb2: {  	s29 =	simm.s32 $0x9;
	_ =	strace $0x8000004E  }
0xb3: {  	_ =	swait.ge [sflag:s29], $0x1  }
0xb4: {  	[sflag:s29] =	ssyncadd.s32 $0xFFFFFFFF  }
0xb5: {  	_ =	strace $0x9000004E  }
0xb6: {  	_ =	sfence  }
0xb7: {  	s30 =	sld [smem:$0x0];
	_ =	sdelay $0x2  }
0xb8: {  	s31 =	sshll.u32 s1, $0xD;
	s1 =	sshrl.u32 s1, $0x2  }
0xb9: {  	s3 =	sand.u32 $0x4000, s31;
	s1 =	sadd.s32 s1, s30  }
0xba: {  	s0 =	sor.u32 s3, s0;
	s1 =	sshll.u32 s1, $0x11  }
0xbb: {  	s0 =	sor.u32 s1, s0  }
0xbc: {  	s0 =	sadd.s32 $0x8F2B, s0  }
0xbd: {  	[sflag:s0] =	ssyncadd.remote.s32 $0x1  }
0xbe: {  	_ =	sfence.sel $0xFFFF  }
0xbf: {  	[dreg:$0x0] =	wrdreg $0xFFFFFFFF;
	(pc) =	sbr.abs _section_cstart, $3  }
0xc0: {  	[dreg:$0x1] =	wrdreg $0xFFFFFFFF  }
0xc1: {  	_ =	task.clear_ibuf [dreg:s6], $0x2FFFF;
	_ =	strace $0x9FFFFFFF  }
0xc2: {  	(tm) =	ssettm $0x7FFFFFFF  }
0xc3: {  	_ =	shalt  }
tec
execute0_lowered:
.L_overlay_start_1:
0x0: {  	(tag) =	ssettag $0x1  }
0x1: {  	s6 =	rddreg [dreg:$0x0]  }
0x2: {  	s2 =	rddreg [dreg:$0x1]  }
0x3: {  	s0 =	rddreg [dreg:$0x2];
	s3 =	simm.s32 $0x0;
	s4 =	srdreg.scid  }
0x4: {  	s1 =	stileid.u32;
	s16 =	simm.s32 $0x80;
	s17 =	simm.s32 $0x2800  }
0x5: {  	s18 =	simm.s32 $0x6800;
	s19 =	simm.s32 $0x1;
	s20 =	simm.s32 $0x2  }
0x6: {  	s21 =	simm.s32 $0x1380;
	s22 =	simm.s32 $0x2700;
	s23 =	simm.s32 $0x2780  }
0x7: {  	s24 =	simm.s32 $0x0;
	[smem:$0x7FF] =	sst s3;
	s7 =	sand.u32 $0x1, s4  }
0x8: {  	s8 =	smul.u32 $0x2800, s1;
	s4 =	sadd.s32 $0x16000, s6;
	s11 =	sadd.s32 $0xC000, s6  }
0x9: {  	s12 =	sadd.s32 $0x2000, s6;
	s5 =	sadd.s32 $0x3D200, s6;
	s13 =	sshll.u32 s1, $0x1  }
0xa: {  	s14 =	smul.u32 $0x50000, s1;
	s31 =	sshll.u32 s1, $0x6;
	_ =	strace $0x8000004D  }
0xb: {  	s9 =	smul.u32 $0x28000, s7;
	s28 =	ssub.s32 $0x2, s7;
	s29 =	sor.u32 s7, s13  }
0xc: {  	s10 =	sshrl.u32 s28, $0x1;
	s30 =	sshrl.u32 s14, $0x2;
	s13 =	smul.u32 $0x500, s29  }
0xd: {  	s8 =	sadd.s32 s8, s9;
	s9 =	ssub.s32 s28, s10;
	s14 =	sadd.s32 s30, s2  }
0xe: {  	s8 =	sadd.s32 s8, s6;
	s6 =	sor.u32 $0x1C03, s31;
	s15 =	sadd.s32 $0x280, s13  }
0xf: {  	s10 =	sadd.s32 s12, s13;
	s7 =	sadd.s32 $0x3FA00, s8;
	s8 =	smax.u32 s9, $0x1  }
0x10: {  	s9 =	sadd.s32 s11, s13;
	s11 =	sadd.s32 s11, s15;
	s12 =	sadd.s32 s12, s15  }
0x11: {  	s13 =	sshrl.u32 s14, $0x3;
	s14 =	simm.s32 $0x3;
	s15 =	simm.s32 $0x1400  }
.LBB2_1:
0x12: {  	[spmem:s13], [sflag:s6] =	dma.local [hbm:s5], $0x2800  }
0x13: {  	_ =	swait.ge [sflag:s14], $0x2800  }
0x14: {  	[sflag:s14] =	ssyncset.done $0x0  }
0x15: {  	[sflag:s14] =	ssyncadd.s32 $0xFFFFD800  }
0x16: {  	[bflag:$0x0] =	sbarrier.arrive $0xFFFF  }
0x17: {  	[tilespmem:s3], [sflag:$0x3] =	stream.linear.gather [hbm4b:s9+s3], $0x1400, $0x38;
	[tilespmem:$0x1E800] =	vst v63  }
0x18: {  	_ =	swait.ge [sflag:s14], $0x1400  }
0x19: {  	[sflag:s14] =	ssyncset.done $0x0  }
0x1a: {  	[sflag:s14] =	ssyncadd.s32 $0xFFFFEC00  }
0x1b: {  	[tilespmem:s15], [sflag:$0x3] =	stream.linear.gather [hbm4b:s10+s3], $0x1400, $0x38;
	[tilespmem:$0x1E800] =	vst v63  }
0x1c: {  	_ =	swait.ge [sflag:s14], $0x1400  }
0x1d: {  	[sflag:s14] =	ssyncset.done $0x0  }
0x1e: {  	[sflag:s14] =	ssyncadd.s32 $0xFFFFEC00  }
0x1f: {  	[tilespmem:s17], [sflag:$0x1] =	stream.indirect.gather [hbm4b:s4+s16], $0x80, s3, s16, $0xb8;
	[tilespmem:$0x1E800] =	vst v63  }
0x20: {  	s25 =	simm.s32 $0x80  }
0x21: {  	[tilespmem:s18], [sflag:$0x2] =	stream.indirect.gather [hbm4b:s4+s16], $0x80, s25, s16, $0xb8;
	[tilespmem:$0x1E800] =	vst v63  }
0x22: {  	_ =	swait.ge [sflag:s19], $0x4000  }
0x23: {  	[sflag:s19] =	ssyncset.done $0x0  }
0x24: {  	s29 =	simm.s32 $0x1400;
	[sflag:s19] =	ssyncadd.s32 $0xFFFFC000  }
0x25: {  	[spmem:s2] =	stream.indirect.scatter.add.f32 [tilespmem:s17], [sflag:$0x3], $0x80, s29, s16, $0xb8;
	[tilespmem:$0x1E800] =	vst v63  }
0x26: {  	_ =	swait.ge [sflag:s14], $0x4000  }
0x27: {  	[sflag:s14] =	ssyncset.done $0x0  }
0x28: {  	s30 =	simm.s32 $0x100;
	[sflag:s14] =	ssyncadd.s32 $0xFFFFC000  }
0x29: {  	[tilespmem:s17], [sflag:$0x1] =	stream.indirect.gather [hbm4b:s4+s16], $0x80, s30, s16, $0xb8;
	[tilespmem:$0x1E800] =	vst v63  }
0x2a: {  	_ =	swait.ge [sflag:s20], $0x4000  }
0x2b: {  	[sflag:s20] =	ssyncset.done $0x0  }
0x2c: {  	s31 =	simm.s32 $0x1480;
	[sflag:s20] =	ssyncadd.s32 $0xFFFFC000  }
0x2d: {  	[spmem:s2] =	stream.indirect.scatter.add.f32 [tilespmem:s18], [sflag:$0x3], $0x80, s31, s16, $0xb8;
	[tilespmem:$0x1E800] =	vst v63  }
0x2e: {  	_ =	swait.ge [sflag:s14], $0x4000  }
0x2f: {  	s26 =	simm.s32 $0x800;
	s25 =	simm.s32 $0x100;
	[sflag:s14] =	ssyncset.done $0x0  }
.LBB2_2:
0x30: {  	s28 =	sadd.s32 $0x80, s25  }
0x31: {  	[sflag:s14] =	ssyncadd.s32 $0xFFFFC000;
	s29 =	smov.u32 s26;
	s30 =	sadd.s32 $0x400, s26  }
0x32: {  	[tilespmem:s18], [sflag:$0x2] =	stream.indirect.gather [hbm4b:s4+s16], $0x80, s28, s16, $0xb8;
	[tilespmem:$0x1E800] =	vst v63  }
0x33: {  	p0 =	sne.s32 s26, $0x4800;
	_ =	swait.ge [sflag:s19], $0x4000  }
0x34: {  	[sflag:s19] =	ssyncset.done $0x0  }
0x35: {  	s26 =	sadd.s32 $0x1400, s25;
	[sflag:s19] =	ssyncadd.s32 $0xFFFFC000  }
0x36: {  	[spmem:s2] =	stream.indirect.scatter.add.f32 [tilespmem:s17], [sflag:$0x3], $0x80, s26, s16, $0xb8;
	[tilespmem:$0x1E800] =	vst v63  }
0x37: {  	_ =	swait.ge [sflag:s14], $0x4000  }
0x38: {  	[sflag:s14] =	ssyncset.done $0x0  }
0x39: {  	s26 =	sadd.s32 $0x100, s25;
	[sflag:s14] =	ssyncadd.s32 $0xFFFFC000  }
0x3a: {  	[tilespmem:s17], [sflag:$0x1] =	stream.indirect.gather [hbm4b:s4+s16], $0x80, s26, s16, $0xb8;
	[tilespmem:$0x1E800] =	vst v63  }
0x3b: {  	_ =	swait.ge [sflag:s20], $0x4000  }
.Ltmp0:
0x3c: {  	[sflag:s20] =	ssyncset.done $0x0;
	(pc) =	sbr.rel @p0 .LBB2_2-.Ltmp0, $4  }
0x3d: {  	s25 =	sadd.s32 $0x1480, s25;
	[sflag:s20] =	ssyncadd.s32 $0xFFFFC000  }
0x3e: {  	[spmem:s2] =	stream.indirect.scatter.add.f32 [tilespmem:s18], [sflag:$0x3], $0x80, s25, s16, $0xb8;
	[tilespmem:$0x1E800] =	vst v63  }
0x3f: {  	_ =	swait.ge [sflag:s14], $0x4000  }
0x40: {  	s26 =	smov.u32 s30;
	s25 =	sshra.s32 s29, $0x2;
	[sflag:s14] =	ssyncset.done $0x0  }
0x41: {  	s26 =	sadd.s32 $0x80, s25;
	[sflag:s14] =	ssyncadd.s32 $0xFFFFC000  }
0x42: {  	[tilespmem:s18], [sflag:$0x2] =	stream.indirect.gather [hbm4b:s4+s16], $0x80, s26, s16, $0xb8;
	[tilespmem:$0x1E800] =	vst v63  }
0x43: {  	_ =	swait.ge [sflag:s19], $0x4000  }
0x44: {  	[sflag:s19] =	ssyncset.done $0x0  }
0x45: {  	s29 =	sadd.s32 $0x1400, s25;
	[sflag:s19] =	ssyncadd.s32 $0xFFFFC000  }
0x46: {  	[spmem:s2] =	stream.indirect.scatter.add.f32 [tilespmem:s17], [sflag:$0x3], $0x80, s29, s16, $0xb8;
	[tilespmem:$0x1E800] =	vst v63  }
0x47: {  	_ =	swait.ge [sflag:s14], $0x4000  }
0x48: {  	[sflag:s14] =	ssyncset.done $0x0  }
0x49: {  	s30 =	sadd.s32 $0x100, s25;
	[sflag:s14] =	ssyncadd.s32 $0xFFFFC000  }
0x4a: {  	[tilespmem:s17], [sflag:$0x1] =	stream.indirect.gather [hbm4b:s4+s16], $0x80, s30, s16, $0xb8;
	[tilespmem:$0x1E800] =	vst v63  }
0x4b: {  	_ =	swait.ge [sflag:s20], $0x4000  }
0x4c: {  	[sflag:s20] =	ssyncset.done $0x0  }
0x4d: {  	s31 =	sadd.s32 $0x1480, s25;
	[sflag:s20] =	ssyncadd.s32 $0xFFFFC000  }
0x4e: {  	[spmem:s2] =	stream.indirect.scatter.add.f32 [tilespmem:s18], [sflag:$0x3], $0x80, s31, s16, $0xb8;
	[tilespmem:$0x1E800] =	vst v63  }
0x4f: {  	_ =	swait.ge [sflag:s14], $0x4000  }
0x50: {  	[sflag:s14] =	ssyncset.done $0x0  }
0x51: {  	[sflag:s14] =	ssyncadd.s32 $0xFFFFC000  }
0x52: {  	[tilespmem:s18], [sflag:$0x2] =	stream.indirect.gather [hbm4b:s4+s16], $0x80, s21, s16, $0xb8;
	[tilespmem:$0x1E800] =	vst v63  }
0x53: {  	_ =	swait.ge [sflag:s19], $0x4000  }
0x54: {  	[sflag:s19] =	ssyncset.done $0x0  }
0x55: {  	[sflag:s19] =	ssyncadd.s32 $0xFFFFC000  }
0x56: {  	[spmem:s2] =	stream.indirect.scatter.add.f32 [tilespmem:s17], [sflag:$0x3], $0x80, s22, s16, $0xb8;
	[tilespmem:$0x1E800] =	vst v63  }
0x57: {  	_ =	swait.ge [sflag:s14], $0x4000  }
0x58: {  	[sflag:s14] =	ssyncset.done $0x0  }
0x59: {  	[sflag:s14] =	ssyncadd.s32 $0xFFFFC000  }
0x5a: {  	_ =	swait.ge [sflag:s20], $0x4000  }
0x5b: {  	[sflag:s20] =	ssyncset.done $0x0  }
0x5c: {  	[sflag:s20] =	ssyncadd.s32 $0xFFFFC000  }
0x5d: {  	[spmem:s2] =	stream.indirect.scatter.add.f32 [tilespmem:s18], [sflag:$0x3], $0x80, s23, s16, $0xb8;
	[tilespmem:$0x1E800] =	vst v63  }
0x5e: {  	_ =	swait.ge [sflag:s14], $0x4000  }
0x5f: {  	[sflag:s14] =	ssyncset.done $0x0  }
0x60: {  	s26 =	simm.s32 $0x0;
	[sflag:s14] =	ssyncadd.s32 $0xFFFFC000  }
0x61: {  	[tilespmem:s26], [sflag:$0x3] =	stream.linear.gather [hbm4b:s11+s26], $0x1400, $0x38;
	[tilespmem:$0x1E800] =	vst v63  }
0x62: {  	_ =	swait.ge [sflag:s14], $0x1400  }
0x63: {  	[sflag:s14] =	ssyncset.done $0x0  }
0x64: {  	[sflag:s14] =	ssyncadd.s32 $0xFFFFEC00  }
0x65: {  	[tilespmem:s15], [sflag:$0x3] =	stream.linear.gather [hbm4b:s12+s26], $0x1400, $0x38;
	[tilespmem:$0x1E800] =	vst v63  }
0x66: {  	_ =	swait.ge [sflag:s14], $0x1400  }
0x67: {  	[sflag:s14] =	ssyncset.done $0x0  }
0x68: {  	[sflag:s14] =	ssyncadd.s32 $0xFFFFEC00  }
0x69: {  	[tilespmem:s17], [sflag:$0x1] =	stream.indirect.gather [hbm4b:s4+s16], $0x80, s26, s16, $0xb8;
	[tilespmem:$0x1E800] =	vst v63  }
0x6a: {  	s28 =	simm.s32 $0x80  }
0x6b: {  	[tilespmem:s18], [sflag:$0x2] =	stream.indirect.gather [hbm4b:s4+s16], $0x80, s28, s16, $0xb8;
	[tilespmem:$0x1E800] =	vst v63  }
0x6c: {  	_ =	swait.ge [sflag:s19], $0x4000  }
0x6d: {  	[sflag:s19] =	ssyncset.done $0x0  }
0x6e: {  	s29 =	simm.s32 $0x1400;
	[sflag:s19] =	ssyncadd.s32 $0xFFFFC000  }
0x6f: {  	[spmem:s2] =	stream.indirect.scatter.add.f32 [tilespmem:s17], [sflag:$0x3], $0x80, s29, s16, $0xb8;
	[tilespmem:$0x1E800] =	vst v63  }
0x70: {  	_ =	swait.ge [sflag:s14], $0x4000  }
0x71: {  	[sflag:s14] =	ssyncset.done $0x0  }
0x72: {  	s30 =	simm.s32 $0x100;
	[sflag:s14] =	ssyncadd.s32 $0xFFFFC000  }
0x73: {  	[tilespmem:s17], [sflag:$0x1] =	stream.indirect.gather [hbm4b:s4+s16], $0x80, s30, s16, $0xb8;
	[tilespmem:$0x1E800] =	vst v63  }
0x74: {  	_ =	swait.ge [sflag:s20], $0x4000  }
0x75: {  	[sflag:s20] =	ssyncset.done $0x0  }
0x76: {  	s31 =	simm.s32 $0x1480;
	[sflag:s20] =	ssyncadd.s32 $0xFFFFC000  }
0x77: {  	[spmem:s2] =	stream.indirect.scatter.add.f32 [tilespmem:s18], [sflag:$0x3], $0x80, s31, s16, $0xb8;
	[tilespmem:$0x1E800] =	vst v63  }
0x78: {  	_ =	swait.ge [sflag:s14], $0x4000  }
0x79: {  	s25 =	simm.s32 $0x100;
	s26 =	simm.s32 $0x800;
	[sflag:s14] =	ssyncset.done $0x0  }
.LBB2_4:
0x7a: {  	s28 =	sadd.s32 $0x80, s25  }
0x7b: {  	[sflag:s14] =	ssyncadd.s32 $0xFFFFC000;
	s29 =	smov.u32 s26;
	s30 =	sadd.s32 $0x400, s26  }
0x7c: {  	[tilespmem:s18], [sflag:$0x2] =	stream.indirect.gather [hbm4b:s4+s16], $0x80, s28, s16, $0xb8;
	[tilespmem:$0x1E800] =	vst v63  }
0x7d: {  	p0 =	sne.s32 s26, $0x4800;
	_ =	swait.ge [sflag:s19], $0x4000  }
0x7e: {  	[sflag:s19] =	ssyncset.done $0x0  }
0x7f: {  	s26 =	sadd.s32 $0x1400, s25;
	[sflag:s19] =	ssyncadd.s32 $0xFFFFC000  }
0x80: {  	[spmem:s2] =	stream.indirect.scatter.add.f32 [tilespmem:s17], [sflag:$0x3], $0x80, s26, s16, $0xb8;
	[tilespmem:$0x1E800] =	vst v63  }
0x81: {  	_ =	swait.ge [sflag:s14], $0x4000  }
0x82: {  	[sflag:s14] =	ssyncset.done $0x0  }
0x83: {  	s26 =	sadd.s32 $0x100, s25;
	[sflag:s14] =	ssyncadd.s32 $0xFFFFC000  }
0x84: {  	[tilespmem:s17], [sflag:$0x1] =	stream.indirect.gather [hbm4b:s4+s16], $0x80, s26, s16, $0xb8;
	[tilespmem:$0x1E800] =	vst v63  }
0x85: {  	_ =	swait.ge [sflag:s20], $0x4000  }
.Ltmp1:
0x86: {  	[sflag:s20] =	ssyncset.done $0x0;
	(pc) =	sbr.rel @p0 .LBB2_4-.Ltmp1, $4  }
0x87: {  	s25 =	sadd.s32 $0x1480, s25;
	[sflag:s20] =	ssyncadd.s32 $0xFFFFC000  }
0x88: {  	[spmem:s2] =	stream.indirect.scatter.add.f32 [tilespmem:s18], [sflag:$0x3], $0x80, s25, s16, $0xb8;
	[tilespmem:$0x1E800] =	vst v63  }
0x89: {  	_ =	swait.ge [sflag:s14], $0x4000  }
0x8a: {  	s26 =	smov.u32 s30;
	s25 =	sshra.s32 s29, $0x2;
	[sflag:s14] =	ssyncset.done $0x0  }
0x8b: {  	s26 =	sadd.s32 $0x80, s25;
	[sflag:s14] =	ssyncadd.s32 $0xFFFFC000  }
0x8c: {  	[tilespmem:s18], [sflag:$0x2] =	stream.indirect.gather [hbm4b:s4+s16], $0x80, s26, s16, $0xb8;
	[tilespmem:$0x1E800] =	vst v63  }
0x8d: {  	_ =	swait.ge [sflag:s19], $0x4000  }
0x8e: {  	[sflag:s19] =	ssyncset.done $0x0  }
0x8f: {  	s29 =	sadd.s32 $0x1400, s25;
	[sflag:s19] =	ssyncadd.s32 $0xFFFFC000  }
0x90: {  	[spmem:s2] =	stream.indirect.scatter.add.f32 [tilespmem:s17], [sflag:$0x3], $0x80, s29, s16, $0xb8;
	[tilespmem:$0x1E800] =	vst v63  }
0x91: {  	_ =	swait.ge [sflag:s14], $0x4000  }
0x92: {  	[sflag:s14] =	ssyncset.done $0x0  }
0x93: {  	s30 =	sadd.s32 $0x100, s25;
	[sflag:s14] =	ssyncadd.s32 $0xFFFFC000  }
0x94: {  	[tilespmem:s17], [sflag:$0x1] =	stream.indirect.gather [hbm4b:s4+s16], $0x80, s30, s16, $0xb8;
	[tilespmem:$0x1E800] =	vst v63  }
0x95: {  	_ =	swait.ge [sflag:s20], $0x4000  }
0x96: {  	[sflag:s20] =	ssyncset.done $0x0  }
0x97: {  	s31 =	sadd.s32 $0x1480, s25;
	[sflag:s20] =	ssyncadd.s32 $0xFFFFC000  }
0x98: {  	[spmem:s2] =	stream.indirect.scatter.add.f32 [tilespmem:s18], [sflag:$0x3], $0x80, s31, s16, $0xb8;
	[tilespmem:$0x1E800] =	vst v63  }
0x99: {  	_ =	swait.ge [sflag:s14], $0x4000  }
0x9a: {  	[sflag:s14] =	ssyncset.done $0x0  }
0x9b: {  	[sflag:s14] =	ssyncadd.s32 $0xFFFFC000  }
0x9c: {  	[tilespmem:s18], [sflag:$0x2] =	stream.indirect.gather [hbm4b:s4+s16], $0x80, s21, s16, $0xb8;
	[tilespmem:$0x1E800] =	vst v63  }
0x9d: {  	_ =	swait.ge [sflag:s19], $0x4000  }
0x9e: {  	[sflag:s19] =	ssyncset.done $0x0  }
0x9f: {  	[sflag:s19] =	ssyncadd.s32 $0xFFFFC000  }
0xa0: {  	[spmem:s2] =	stream.indirect.scatter.add.f32 [tilespmem:s17], [sflag:$0x3], $0x80, s22, s16, $0xb8;
	[tilespmem:$0x1E800] =	vst v63  }
0xa1: {  	_ =	swait.ge [sflag:s14], $0x4000  }
0xa2: {  	[sflag:s14] =	ssyncset.done $0x0  }
0xa3: {  	[sflag:s14] =	ssyncadd.s32 $0xFFFFC000  }
0xa4: {  	_ =	swait.ge [sflag:s20], $0x4000  }
0xa5: {  	[sflag:s20] =	ssyncset.done $0x0  }
0xa6: {  	[sflag:s20] =	ssyncadd.s32 $0xFFFFC000  }
0xa7: {  	[spmem:s2] =	stream.indirect.scatter.add.f32 [tilespmem:s18], [sflag:$0x3], $0x80, s23, s16, $0xb8;
	[tilespmem:$0x1E800] =	vst v63  }
0xa8: {  	_ =	swait.ge [sflag:s14], $0x4000  }
0xa9: {  	s24 =	sadd.s32 $0x1, s24;
	[sflag:s14] =	ssyncset.done $0x0  }
0xaa: {  	p0 =	sne.s32 s24, s8;
	[sflag:s14] =	ssyncadd.s32 $0xFFFFC000  }
.Ltmp2:
0xab: {  	[bflag:$0x0] =	sbarrier.arrive $0xFFFF;
	(pc) =	sbr.rel @p0 .LBB2_1-.Ltmp2, $4  }
0xac: {  	[hbm:s7], [sflag:s6] =	dma.local [spmem:s13], $0x2800  }
0xad: {  	_ =	swait.ge [sflag:s14], $0x2800  }
0xae: {  	[sflag:s14] =	ssyncset.done $0x0  }
0xaf: {  	[sflag:s14] =	ssyncadd.s32 $0xFFFFD800  }
0xb0: {  	_ =	sfence.sel $0x180000  }
0xb1: {  	[bflag:$0x0] =	sbarrier.arrive $0xFFFF  }
0xb2: {  	p0 =	sne.s32 s1, $0x0;
	_ =	strace $0x9000004D  }
0xb3: {  	s0 =	sadd.s32 @!p0 $0x100000, s0;
	[bflag:$0x2] =	sbarrier.arrive $0xFFFF  }
0xb4: {  	[sflag:s0] =	ssyncadd.tile.s32 @!p0 $0x1;
	_ =	shalt  }
.Lfunc_end2:
_tile_overlayer_lowered:
.L_overlay_start_2:
0xb5: {  	(tag) =	ssettag $0x2  }
0xb6: {  	s0 =	rddreg [dreg:$0x0];
	s2 =	stileid.u32  }
0xb7: {  	s1 =	rddreg [dreg:$0x1];
	p0 =	sne.s32 s2, $0x0  }
0xb8: {  	s3 =	rddreg [dreg:$0x2];
	[bflag:$0x3] =	sbarrier.arrive $0xFFFF;
	s2 =	simm.s32 @!p0 $0x1C03  }
0xb9: {  	[timem:s3], [sflag:s2] =	dma.local @!p0 [hbm:s0], s1  }
0xba: {  	s0 =	simm.s32 @!p0 $0x3  }
0xbb: {  	_ =	swait.ge @!p0 [sflag:s0], s1  }
0xbc: {  	s1 =	ssub.s32 @!p0 $0x0, s1;
	[sflag:s0] =	ssyncset.done @!p0 $0x0  }
0xbd: {  	[sflag:s0] =	ssyncadd.s32 @!p0 s1  }
0xbe: {  	[bflag:$0x3] =	sbarrier.arrive $0xFFFF  }
0xbf: {  	_ =	shalt  }

// kernel: _run.8.cloned.1.call-start
scs
__scs_entry_jumppad:
0x0: {  	(pc) =	sbr.rel $0x88, $3  }
0x1: {  	(tag) =	ssettag $0x0;
	lr =	simm.s32 $0x1  }
0x2: {  	[smem:$0x3F98] =	sst lr;
	_ =	strace $0xD0000000  }
0x3: {  	_ = 	snop  }
0x4: {  	_ = 	snop  }
0x5: {  	_ = 	snop  }
0x6: {  	_ = 	snop  }
0x7: {  	_ = 	snop  }
__scs_overlays_trampoline_lowered:
0x8: {  	[smem:$0x3FA7] =	sst s0  }
0x9: {  	[smem:$0x3FA8] =	sst s1  }
0xa: {  	[smem:$0x3FA9] =	sst s2  }
0xb: {  	[smem:$0x3FAA] =	sst s3  }
0xc: {  	[smem:$0x3FAB] =	sst s4  }
0xd: {  	[smem:$0x3FAC] =	sst s5  }
0xe: {  	[smem:$0x3FAD] =	sst s6  }
0xf: {  	[smem:$0x3FAE] =	sst s7  }
0x10: {  	[smem:$0x3FAF] =	sst s8  }
0x11: {  	[smem:$0x3FB0] =	sst s9;
	s0 =	simm.s32 @!p0 $0x0  }
0x12: {  	s1 =	sld [smem:$0x3F96];
	s0 =	simm.s32 @p0 $0x1  }
0x13: {  	[smem:$0x3FB1] =	sst s0;
	s0 =	simm.s32 @!p1 $0x0  }
0x14: {  	s2 =	sld [smem:$0x3F95];
	s0 =	simm.s32 @p1 $0x1  }
0x15: {  	[smem:$0x3FB2] =	sst s0;
	s0 =	simm.s32 @!p2 $0x0  }
0x16: {  	s3 =	sld [smem:$0x3FDB];
	s0 =	simm.s32 @p2 $0x1  }
0x17: {  	s4 =	simm.s32 $0x1BF5;
	[smem:$0x3FB4] =	sst s0  }
0x18: {  	s0 =	sld [smem:$0x3F97];
	_ =	swait.ge [sflag:s4], $0x0  }
0x19: {  	s7 =	sld [smem:$0x3F98]  }
0x1a: {  	s8 =	sadd.s32 $0xFFFFE003, lr  }
0x1b: {  	s9 =	sadd.s32 $0xFFFFFEF7, lr;
	s5 =	simm.s32 $0xFFFFFFFF;
	p2 =	slt.u32 s8, $0xFFFFF086  }
0x1c: {  	p1 =	slt.u32 s9, $0xF7A;
	s5 =	simm.s32 @!p2 $0x0  }
0x1d: {  	s5 =	simm.s32 @p1 $0x1;
	p0 =	seq.s32 s7, s2  }
0x1e: {  	s7 =	smul.u32 @!p0 $0xF7A, s2;
	p2 =	seq.s32 @!p0 s5, $0x0  }
0x1f: {  	s9 =	smul.u32 $0xF7A, s1;
	s8 =	simm.s32 @!p0 $0x1BF5;
	p2 =	por !p2, p0  }
0x20: {  	[sflag:s8] =	ssyncset.s32 @!p0 $0xFFFFF086;
	s6 =	sadd.s32 @!p0 s3, s7;
	s7 =	simm.s32 @!p0 $0x108  }
0x21: {  	s3 =	sadd.s32 s3, s9;
	s6 =	sadd.s32 @!p0 $0x88, s6;
	s7 =	simm.s32 @p2 $0x1082  }
0x22: {  	[simem:s7], [sflag:s8] =	dma.local @!p0 [hbm:s6], $0xF7A  }
0x23: {  	s9 =	sor.u32 $0xD0000000, s2;
	s6 =	simm.s32 $0x108;
	_ =	swait.ge @!p0 [sflag:s8], $0x0  }
0x24: {  	s3 =	sadd.s32 $0x88, s3;
	s6 =	simm.s32 @!p1 $0x1082;
	[sflag:s4] =	ssyncset.s32 $0xFFFFF086  }
0x25: {  	[simem:s6], [sflag:s4] =	dma.local [hbm:s3], $0xF7A  }
0x26: {  	[smem:$0x3F98] =	sst s1;
	(tag) =	ssettag s2;
	_ =	strace s9  }
0x27: {  	s1 =	sld [smem:$0x3FA8]  }
0x28: {  	s2 =	sld [smem:$0x3FA9]  }
0x29: {  	s4 =	sld [smem:$0x3FAB]  }
0x2a: {  	p0 =	seq.s32 s5, $0x0;
	s5 =	sld [smem:$0x3FAC]  }
0x2b: {  	s6 =	sld [smem:$0x3FAD]  }
0x2c: {  	s7 =	sld [smem:$0x3FAE]  }
0x2d: {  	s3 =	simm.s32 $0x108;
	s8 =	sld [smem:$0x3FAF]  }
0x2e: {  	s3 =	simm.s32 @!p0 $0x1082;
	s9 =	sld [smem:$0x3FB0]  }
0x2f: {  	lr =	sadd.s32 s0, s3;
	s0 =	sld [smem:$0x3FA7]  }
0x30: {  	s3 =	sld [smem:$0x3FAA]  }
0x31: {  	[smem:$0x3FB3] =	sst s10  }
0x32: {  	s10 =	sld [smem:$0x3FB1];
	_ =	sdelay $0x3  }
0x33: {  	p0 =	seq.s32 s10, $0x1;
	s10 =	sld [smem:$0x3FB3];
	_ =	sdelay $0x3  }
0x34: {  	[smem:$0x3FB3] =	sst s10  }
0x35: {  	s10 =	sld [smem:$0x3FB2];
	_ =	sdelay $0x3  }
0x36: {  	p1 =	seq.s32 s10, $0x1;
	s10 =	sld [smem:$0x3FB3];
	_ =	sdelay $0x3  }
0x37: {  	[smem:$0x3FB3] =	sst s10  }
0x38: {  	s10 =	sld [smem:$0x3FB4]  }
0x39: {  	_ = 	snop;
	(pc) =	sbr.ind lr, $3  }
0x3a: {  	_ = 	snop  }
0x3b: {  	_ = 	snop  }
0x3c: {  	p2 =	seq.s32 s10, $0x1;
	s10 =	sld [smem:$0x3FB3]  }
0x3d: {  	_ =	shalt  }
0x3e: {  	_ =	shalt  }
0x3f: {  	_ =	shalt  }
0x40: {  	_ =	shalt  }
0x41: {  	_ =	shalt  }
0x42: {  	_ =	shalt  }
0x43: {  	_ =	shalt  }
0x44: {  	_ =	shalt  }
0x45: {  	_ =	shalt  }
0x46: {  	_ =	shalt  }
0x47: {  	_ =	shalt  }
0x48: {  	_ =	shalt  }
0x49: {  	_ =	shalt  }
0x4a: {  	_ =	shalt  }
0x4b: {  	_ =	shalt  }
0x4c: {  	_ =	shalt  }
0x4d: {  	_ =	shalt  }
0x4e: {  	_ =	shalt  }
0x4f: {  	_ =	shalt  }
0x50: {  	_ =	shalt  }
0x51: {  	_ =	shalt  }
0x52: {  	_ =	shalt  }
0x53: {  	_ =	shalt  }
0x54: {  	_ =	shalt  }
0x55: {  	_ =	shalt  }
0x56: {  	_ =	shalt  }
0x57: {  	_ =	shalt  }
0x58: {  	_ =	shalt  }
0x59: {  	_ =	shalt  }
0x5a: {  	_ =	shalt  }
0x5b: {  	_ =	shalt  }
0x5c: {  	_ =	shalt  }
0x5d: {  	_ =	shalt  }
0x5e: {  	_ =	shalt  }
0x5f: {  	_ =	shalt  }
0x60: {  	_ =	shalt  }
0x61: {  	_ =	shalt  }
0x62: {  	_ =	shalt  }
0x63: {  	_ =	shalt  }
0x64: {  	_ =	shalt  }
0x65: {  	_ =	shalt  }
0x66: {  	_ =	shalt  }
0x67: {  	_ =	shalt  }
0x68: {  	_ =	shalt  }
0x69: {  	_ =	shalt  }
0x6a: {  	_ =	shalt  }
0x6b: {  	_ =	shalt  }
0x6c: {  	_ =	shalt  }
0x6d: {  	_ =	shalt  }
0x6e: {  	_ =	shalt  }
0x6f: {  	_ =	shalt  }
0x70: {  	_ =	shalt  }
0x71: {  	_ =	shalt  }
0x72: {  	_ =	shalt  }
0x73: {  	_ =	shalt  }
0x74: {  	_ =	shalt  }
0x75: {  	_ =	shalt  }
0x76: {  	_ =	shalt  }
0x77: {  	_ =	shalt  }
0x78: {  	_ =	shalt  }
0x79: {  	_ =	shalt  }
0x7a: {  	_ =	shalt  }
0x7b: {  	_ =	shalt  }
0x7c: {  	_ =	shalt  }
0x7d: {  	_ =	shalt  }
0x7e: {  	_ =	shalt  }
0x7f: {  	_ =	shalt  }
0x80: {  	_ =	shalt  }
0x81: {  	_ =	shalt  }
0x82: {  	_ =	shalt  }
0x83: {  	_ =	shalt  }
0x84: {  	_ =	shalt  }
0x85: {  	_ =	shalt  }
0x86: {  	_ =	shalt  }
0x87: {  	_ =	shalt  }
.Lfunc_end0:
.L_simem_size_0:
called_computation_lowered:
.L_overlay_start_0:
0x88: {  	s2 =	sld [smem:$0x3FD9]  }
0x89: {  	s3 =	sld [smem:$0x3FFE];
	_ =	sdelay $0x1  }
0x8a: {  	s1 =	srdreg.scid  }
0x8b: {  	s0 =	sand.u32 $0x1, s1  }
0x8c: {  	s17 =	sshll.u32 s0, $0xA;
	s2 =	sadd.s32 s3, s2  }
0x8d: {  	s2 =	sadd.s32 s2, s17  }
0x8e: {  	[smem:$0x3FBF] =	sst s2  }
0x8f: {  	_ = 	snop  }
0x90: {  	(tm) =	ssettm $0x1  }
0x91: {  	s18 =	sld [smem:$0x3FFB];
	_ =	sdelay $0x3  }
0x92: {  	_ =	strace s18  }
0x93: {  	s2 =	sld [smem:$0x3FFC];
	_ =	sdelay $0x3  }
0x94: {  	_ =	strace s2  }
0x95: {  	s2 =	sld [smem:$0x3FFD];
	_ =	sdelay $0x3  }
0x96: {  	_ =	strace s2  }
0x97: {  	_ =	strace $0x8FFFFFFF  }
0x98: {  	s19 =	sld [smem:$0x3FDB];
	_ =	sdelay $0x1  }
0x99: {  	s20 =	simm.s32 $_scs_section_size  }
0x9a: {  	s4 =	simm.s32 $_size__tile_overlayer_lowered;
	s5 =	simm.s32 $_tile_overlayer_lowered  }
0x9b: {  	s6 =	simm.s32 $0x1BFF;
	s21 =	sshll.u32 s5, $0x1;
	s3 =	sadd.s32 s20, s19  }
0x9c: {  	s22 =	simm.s32 $0x0;
	s4 =	sshll.u32 s4, $0x1;
	s5 =	sadd.s32 s21, s3  }
0x9d: {  	[timem:s22], [sflag:s6] =	dma.local [hbm:s5], s4  }
0x9e: {  	_ =	swait.ge [sflag:s6], s4  }
0x9f: {  	s4 =	ssub.s32 $0x0, s4;
	[sflag:s6] =	ssyncset.done $0x0  }
0xa0: {  	[sflag:s6] =	ssyncadd.s32 s4;
	_ =	sdelay $0x1  }
0xa1: {  	s23 =	simm.s32 $0x1B8B  }
0xa2: {  	_ =	swait.ge [sflag:s23], $0x1  }
0xa3: {  	[sflag:s23] =	ssyncset.done $0x0  }
0xa4: {  	[sflag:s23] =	ssyncadd.s32 $0xFFFFFFFF  }
0xa5: {  	s4 =	sld [smem:$0x0]  }
0xa6: {  	s5 =	sand.u32 $0xFFFFFFFE, s1  }
0xa7: {  	p0 =	sne.s32 s1, s5  }
0xa8: {  	s5 =	sshll.u32 @p0 s5, $0xE  }
0xa9: {  	s5 =	sadd.s32 @p0 $0x11B8D, s5;
	s6 =	sshll.u32 @p0 s4, $0x11  }
0xaa: {  	s5 =	sor.u32 @p0 s6, s5  }
0xab: {  	[sflag:s5] =	ssyncadd.remote.s32 @p0 $0x1;
	_ =	sdelay $0x1  }
0xac: {  	s5 =	simm.s32 @p0 $0x1B8D  }
0xad: {  	_ =	swait.eq @p0 [sflag:s5], $0x1  }
0xae: {  	[sflag:s5] =	ssyncadd.s32 @p0 $0xFFFFFFFF  }
0xaf: {  	s6 =	sshll.u32 @!p0 s1, $0xE  }
0xb0: {  	s6 =	sor.u32 @!p0 $0x4000, s6;
	s5 =	simm.s32 @!p0 $0x1B8D  }
0xb1: {  	s4 =	sshll.u32 @!p0 s4, $0x11;
	s6 =	sadd.s32 @!p0 $0x11B8D, s6;
	_ =	swait.eq @!p0 [sflag:s5], $0x1  }
0xb2: {  	s4 =	sor.u32 @!p0 s4, s6;
	[sflag:s5] =	ssyncadd.s32 @!p0 $0xFFFFFFFF  }
0xb3: {  	s25 =	simm.s32 $0x1B8E;
	s24 =	sld [smem:$0x3FFE];
	[sflag:s4] =	ssyncadd.remote.s32 @!p0 $0x1  }
0xb4: {  	s26 =	simm.s32 $execute0_lowered;
	[smem:$0x3FD2] =	sst s25  }
0xb5: {  	s5 =	sshll.u32 s26, $0x1;
	_ =	strace $0x80000049;
	[dreg:$0x1] =	wrdreg $0xFFFFFFFF  }
0xb6: {  	s28 =	simm.s32 $_size_execute0_lowered;
	s3 =	sadd.s32 s3, s5;
	[dreg:$0x0] =	wrdreg $0x0  }
0xb7: {  	s5 =	sshll.u32 s28, $0x1;
	[dreg:$0x2] =	wrdreg s3  }
0xb8: {  	[dreg:$0x3] =	wrdreg s5  }
0xb9: {  	[dreg:$0x4] =	wrdreg $0xC0  }
0xba: {  	_ =	task [dreg:s22], $0x5FFFF  }
0xbb: {  	[dreg:$0x1] =	wrdreg $0xFFFFFFFF  }
0xbc: {  	[dreg:$0x0] =	wrdreg $0x60  }
0xbd: {  	[dreg:$0x2] =	wrdreg s24  }
0xbe: {  	[dreg:$0x3] =	wrdreg $0x68000  }
0xbf: {  	[dreg:$0x4] =	wrdreg $0x9  }
0xc0: {  	_ =	task.clear_ibuf [dreg:s22], $0x5FFFF;
	_ =	strace $0x90000049  }
0xc1: {  	s29 =	simm.s32 $0x9;
	_ =	strace $0x8000004B  }
0xc2: {  	_ =	swait.ge [sflag:s29], $0x1  }
0xc3: {  	[sflag:s29] =	ssyncadd.s32 $0xFFFFFFFF  }
0xc4: {  	_ =	strace $0x9000004B  }
0xc5: {  	_ =	sfence  }
0xc6: {  	s30 =	sld [smem:$0x0];
	_ =	sdelay $0x2  }
0xc7: {  	s31 =	sshll.u32 s1, $0xD;
	s1 =	sshrl.u32 s1, $0x2  }
0xc8: {  	s4 =	sand.u32 $0x4000, s31;
	s1 =	sadd.s32 s1, s30  }
0xc9: {  	s0 =	sor.u32 s4, s0;
	s1 =	sshll.u32 s1, $0x11  }
0xca: {  	s0 =	sor.u32 s1, s0  }
0xcb: {  	s0 =	sadd.s32 $0x8F2B, s0  }
0xcc: {  	[sflag:s0] =	ssyncadd.remote.s32 $0x1  }
0xcd: {  	_ =	sfence.sel $0xFFFF  }
0xce: {  	[dreg:$0x0] =	wrdreg $0xFFFFFFFF;
	(pc) =	sbr.abs _section_cstart, $3  }
0xcf: {  	[dreg:$0x1] =	wrdreg $0xFFFFFFFF  }
0xd0: {  	_ =	task.clear_ibuf [dreg:s22], $0x2FFFF;
	_ =	strace $0x9FFFFFFF  }
0xd1: {  	(tm) =	ssettm $0x7FFFFFFF  }
tec
execute0_lowered:
.L_overlay_start_1:
0x0: {  	(tag) =	ssettag $0x1  }
0x1: {  	s1 =	srdreg.scid;
	s6 =	rddreg [dreg:$0x0]  }
0x2: {  	s0 =	stileid.u32;
	s2 =	rddreg [dreg:$0x1];
	s3 =	simm.s32 $0x0  }
0x3: {  	s13 =	simm.s32 $0x80;
	s14 =	simm.s32 $0x0;
	s7 =	sand.u32 $0x1, s1  }
0x4: {  	s26 =	sshll.u32 s0, $0x1;
	s1 =	rddreg [dreg:$0x2];
	s8 =	smul.u32 $0x2800, s0  }
0x5: {  	[smem:$0x7FF] =	sst s3;
	s11 =	smul.u32 $0x50000, s0;
	s5 =	sadd.s32 $0x3D200, s6  }
0x6: {  	s31 =	sshll.u32 s0, $0x6;
	s4 =	sor.u32 s7, s26;
	s9 =	smul.u32 $0x28000, s7  }
0x7: {  	_ =	strace $0x8000004A;
	s7 =	ssub.s32 $0x2, s7;
	s4 =	smul.u32 $0x500, s4  }
0x8: {  	s28 =	sshrl.u32 s7, $0x1;
	s29 =	sshrl.u32 s11, $0x2;
	s11 =	simm.s32 $0x1  }
0x9: {  	s8 =	sadd.s32 s8, s9;
	s30 =	ssub.s32 s7, s28;
	s12 =	sadd.s32 s29, s2  }
0xa: {  	s10 =	sadd.s32 s4, s6;
	s4 =	sadd.s32 $0x8FA00, s6;
	s8 =	sadd.s32 s8, s6  }
0xb: {  	s6 =	sor.u32 $0x1C01, s31;
	s9 =	smax.u32 s30, $0x1;
	s7 =	sadd.s32 $0x2000, s10  }
0xc: {  	s8 =	sadd.s32 $0x90200, s8;
	s10 =	sshrl.u32 s12, $0x3;
	s12 =	simm.s32 $0x2800  }
.LBB2_1:
0xd: {  	[spmem:s10], [sflag:s6] =	dma.local [hbm:s5], $0x2800  }
0xe: {  	_ =	swait.ge [sflag:s11], $0x2800  }
0xf: {  	[sflag:s11] =	ssyncset.done $0x0  }
0x10: {  	[sflag:s11] =	ssyncadd.s32 $0xFFFFD800  }
0x11: {  	[tilespmem:s12], [sflag:$0x1] =	stream.linear.gather [hbm4b:s4+s3], $0x4000, $0x38;
	[tilespmem:$0x1A800] =	vst v63  }
0x12: {  	_ =	swait.ge [sflag:s11], $0x4000  }
0x13: {  	[sflag:s11] =	ssyncset.done $0x0  }
0x14: {  	[sflag:s11] =	ssyncadd.s32 $0xFFFFC000  }
0x15: {  	[tilespmem:s3], [sflag:$0x1] =	stream.linear.gather [hbm4b:s7+s3], $0x2800, $0x38;
	[tilespmem:$0x1A800] =	vst v63  }
0x16: {  	_ =	swait.ge [sflag:s11], $0x2800  }
0x17: {  	[sflag:s11] =	ssyncset.done $0x0  }
0x18: {  	[sflag:s11] =	ssyncadd.s32 $0xFFFFD800  }
0x19: {  	s15 =	simm.s32 $0x0;
	[bflag:$0x0] =	sbarrier.arrive $0xFFFF  }
0x1a: {  	[spmem:s2] =	stream.indirect.scatter.add.f32 [tilespmem:s12], [sflag:$0x1], $0x80, s15, s13, $0xb8;
	[tilespmem:$0x1A800] =	vst v63  }
0x1b: {  	_ =	swait.ge [sflag:s11], $0x4000  }
0x1c: {  	s15 =	simm.s32 $0x200;
	[sflag:s11] =	ssyncset.done $0x0  }
.LBB2_2:
0x1d: {  	s16 =	sshra.s32 s15, $0x2;
	[sflag:s11] =	ssyncadd.s32 $0xFFFFC000;
	p0 =	sne.s32 s15, $0x9E00  }
0x1e: {  	[spmem:s2] =	stream.indirect.scatter.add.f32 [tilespmem:s12], [sflag:$0x1], $0x80, s16, s13, $0xb8;
	[tilespmem:$0x1A800] =	vst v63  }
.Ltmp0:
0x1f: {  	_ = 	snop;
	(pc) =	sbr.rel @p0 .LBB2_2-.Ltmp0, $4  }
0x20: {  	_ = 	snop  }
0x21: {  	s15 =	sadd.s32 $0x200, s15  }
0x22: {  	_ =	swait.ge [sflag:s11], $0x4000  }
0x23: {  	[sflag:s11] =	ssyncset.done $0x0  }
0x24: {  	s14 =	sadd.s32 $0x1, s14  }
0x25: {  	[sflag:s11] =	ssyncadd.s32 $0xFFFFC000;
	p0 =	sne.s32 s14, s9  }
.Ltmp1:
0x26: {  	[bflag:$0x0] =	sbarrier.arrive $0xFFFF;
	(pc) =	sbr.rel @p0 .LBB2_1-.Ltmp1, $4  }
0x27: {  	[hbm:s8], [sflag:s6] =	dma.local [spmem:s10], $0x2800  }
0x28: {  	_ =	swait.ge [sflag:s11], $0x2800  }
0x29: {  	[sflag:s11] =	ssyncset.done $0x0  }
0x2a: {  	[sflag:s11] =	ssyncadd.s32 $0xFFFFD800  }
0x2b: {  	_ =	sfence.sel $0x180000  }
0x2c: {  	[bflag:$0x0] =	sbarrier.arrive $0xFFFF  }
0x2d: {  	p0 =	sne.s32 s0, $0x0;
	_ =	strace $0x9000004A  }
0x2e: {  	s0 =	sadd.s32 @!p0 $0x100000, s1;
	[bflag:$0x2] =	sbarrier.arrive $0xFFFF  }
0x2f: {  	[sflag:s0] =	ssyncadd.tile.s32 @!p0 $0x1;
	_ =	shalt  }
.Lfunc_end2:
_tile_overlayer_lowered:
.L_overlay_start_2:
0x30: {  	(tag) =	ssettag $0x2  }
0x31: {  	s0 =	rddreg [dreg:$0x0];
	s2 =	stileid.u32  }
0x32: {  	s1 =	rddreg [dreg:$0x1];
	p0 =	sne.s32 s2, $0x0  }
0x33: {  	s3 =	rddreg [dreg:$0x2];
	[bflag:$0x3] =	sbarrier.arrive $0xFFFF;
	s2 =	simm.s32 @!p0 $0x1C01  }
0x34: {  	[timem:s3], [sflag:s2] =	dma.local @!p0 [hbm:s0], s1  }
0x35: {  	s0 =	simm.s32 @!p0 $0x1  }
0x36: {  	_ =	swait.ge @!p0 [sflag:s0], s1  }
0x37: {  	s1 =	ssub.s32 @!p0 $0x0, s1;
	[sflag:s0] =	ssyncset.done @!p0 $0x0  }
0x38: {  	[sflag:s0] =	ssyncadd.s32 @!p0 s1  }
0x39: {  	[bflag:$0x3] =	sbarrier.arrive $0xFFFF  }
0x3a: {  	_ =	shalt  }

</sc_bundles>
